<compile_context>
chip_gen: v7x
topology: tpu7x:2x2x1
jax: 0.10.2.dev20260603
libtpu: 0.0.44.dev20260713+nightly
codegen_flags: <defaults>
</compile_context>

<pallas_src>
import functools

import jax
import jax.numpy as jnp
from jax import lax
from jax.experimental import pallas as pl
from jax.experimental.pallas import tpu as pltpu
from jax.experimental.pallas import tpu_sc as plsc

_K = 256
_M = 128
_N = 32768
_L = 16
_NW = 32
_ROWS_PER_W = _M // _NW
_NV_ROW = _N // _L
_HALF = _N
_MININT = -2147483648


def _splat(val, dtype=jnp.int32):
    return jnp.full((_L,), val, dtype=dtype)


def _sc_body(x_hbm, out_hbm, row_v, cand_v):
    wid = lax.axis_index("s") * 2 + lax.axis_index("c")

    lanes = lax.iota(jnp.int32, _L)
    one_i = _splat(1)
    zero_i = _splat(0)
    min_i = _splat(_MININT)
    sixteen = _splat(_L)
    pivf = _splat(2.25, jnp.float32)
    fifteen = _splat(15)
    neg1_i = _splat(-1)

    def compact_fast():
        @plsc.parallel_loop(0, _NV_ROW, unroll=8, carry=(lanes, min_i))
        def out(i, carry):
            posv, maxv = carry
            xv = row_v[pl.ds(i * _L, _L)]
            key = plsc.bitcast(xv, jnp.int32)
            keep = xv >= pivf
            plsc.store_scatter(cand_v, [posv], key, mask=keep)
            return (posv + jnp.where(keep, sixteen, zero_i),
                    jnp.maximum(maxv, key))

        return out

    def compact_slow():
        @plsc.parallel_loop(0, _NV_ROW, unroll=8,
                            carry=(lanes, neg1_i, zero_i))
        def out(i, carry):
            posv, andv, orv = carry
            xv = row_v[pl.ds(i * _L, _L)]
            b = plsc.bitcast(xv, jnp.int32)
            key = jnp.where(b >= zero_i, b, min_i - b) ^ min_i
            keep = xv < pivf
            plsc.store_scatter(cand_v, [posv], key, mask=keep)
            andv = andv & jnp.where(keep, key, neg1_i)
            orv = orv | jnp.where(keep, key, zero_i)
            return posv + jnp.where(keep, sixteen, zero_i), andv, orv

        return out

    def row_body(r, _):
        row = wid * _ROWS_PER_W + r
        with jax.named_scope("dma_in"):
            pltpu.sync_copy(x_hbm.at[row], row_v)

        def lane_fold(v, op):
            for d in (8, 4, 2, 1):
                sh = v.at[lanes ^ _splat(d)].get(mode="promise_in_bounds")
                v = op(v, sh)
            return v

        with jax.named_scope("phase_a"):
            endv1, maxv = compact_fast()
            cnt1 = jnp.sum(jnp.right_shift(endv1 - lanes, 4))
            fast = cnt1 >= _K
            endv0, lo_all, hi_all = lax.cond(
                fast,
                lambda: (endv1, plsc.bitcast(pivf, jnp.int32),
                         lane_fold(maxv, jnp.maximum)),
                lambda: (lambda r: (r[0], lane_fold(r[1], jnp.bitwise_and),
                                    lane_fold(r[2], jnp.bitwise_or)))(
                    compact_slow()),
            )

        fast_v = jnp.full((_L,), fast, jnp.bool_)
        maxc0 = jnp.right_shift(jnp.max(endv0 - lanes), 4)
        diff = lo_all ^ hi_all
        dbits = plsc.bitcast(diff.astype(jnp.float32), jnp.int32)
        e_v = jnp.where(diff < zero_i, _splat(31),
                        jnp.maximum(jnp.right_shift(dbits, 23) - _splat(127),
                                    zero_i))
        m0 = lax.shift_left(one_i, e_v)
        lowmask = lax.shift_left(m0, one_i) - one_i
        prefix0 = lo_all & ~lowmask
        n_iter = jnp.max(e_v) + 1
        need0 = jnp.where(fast_v, _splat(_K), _splat(_K) - _splat(cnt1))

        def bit_body(_, st):
            m, prefix, need_v, startv, endv, ws = st
            ws_v = jnp.full((_L,), ws, jnp.int32)
            hicur0 = ws_v + lanes
            locur0 = ws_v + lanes + _splat(_HALF - _L)

            @plsc.parallel_loop(0, maxc0, unroll=4,
                                carry=(hicur0, locur0, startv))
            def part_out(i, carry):
                hicur, locur, readv = carry
                v = plsc.load_gather(cand_v, [readv])
                valid = readv < endv
                hi = (v & m) != zero_i
                hit = jnp.logical_and(valid, hi)
                lot = jnp.logical_and(valid, jnp.logical_not(hi))
                pos = jnp.where(hi, hicur, locur)
                plsc.store_scatter(cand_v, [pos], v, mask=valid)
                hicur = hicur + jnp.where(hit, sixteen, zero_i)
                locur = locur - jnp.where(lot, sixteen, zero_i)
                return hicur, locur, readv + sixteen

            hicur, locur, _unused = part_out
            c1_v = plsc.cumsum(jnp.right_shift(hicur - hicur0, 4)) \
                .at[fifteen].get(mode="promise_in_bounds")
            takehi_v = c1_v >= need_v

            new_start = jnp.where(takehi_v, hicur0, locur + sixteen)
            new_end = jnp.where(takehi_v, hicur,
                                ws_v + lanes + _splat(_HALF))
            new_need = jnp.where(takehi_v, need_v, need_v - c1_v)
            new_prefix = jnp.where(takehi_v, prefix | m, prefix)
            return (lax.shift_right_logical(m, one_i), new_prefix,
                    new_need, new_start, new_end, _HALF - ws)

        with jax.named_scope("phase_b"):
            _, prefix, _, _, _, _ = lax.fori_loop(
                0, n_iter, bit_body,
                (m0, prefix0, need0, lanes, endv0, _HALF))

        t_s = jnp.where(fast_v, prefix, prefix ^ min_i)
        b_t = jnp.where(t_s >= zero_i, t_s, min_i - t_s)
        tf = plsc.bitcast(b_t, jnp.float32)
        zf = _splat(0.0, jnp.float32)

        with jax.named_scope("mask"):
            @plsc.parallel_loop(0, _NV_ROW, unroll=8)
            def _mask(i):
                xv = row_v[pl.ds(i * _L, _L)]
                row_v[pl.ds(i * _L, _L)] = jnp.where(xv >= tf, xv, zf)

        with jax.named_scope("dma_out"):
            pltpu.sync_copy(row_v, out_hbm.at[row])
        return 0

    lax.fori_loop(0, _ROWS_PER_W, row_body, 0)


def kernel(x):
    mesh = plsc.VectorSubcoreMesh(core_axis_name="c", subcore_axis_name="s")
    f = functools.partial(
        pl.kernel,
        mesh=mesh,
        out_type=jax.ShapeDtypeStruct((_M, _N), jnp.float32),
        scratch_types=[
            pltpu.VMEM((_N,), jnp.float32),
            pltpu.VMEM((2 * _N,), jnp.int32),
        ],
        compiler_params=pltpu.CompilerParams(needs_layout_passes=False),
    )(_sc_body)
    return f(x)

# --- scband reference (transcript-rebuilt; emitter-appended) ---
"""Pipeline reference for scband-top-k-74603581932069 (READ-ONLY COPY).

The authoritative reference and input builder live on the scoring server;
editing this copy changes nothing except your own understanding.
"""

import jax, jax.numpy as jnp
import numpy as np

K = 256

def setup_inputs(seed: int = 0) -> dict:
    key = jax.random.key(seed)
    x = jax.random.normal(key, (128, 32768), dtype=jnp.float32)
    return {"x": x}

def reference(x):
    # torch.topk(x, k, dim=1) -> indices; scatter ones into mask; multiply
    _, indices = jax.lax.top_k(x, K)  # [B, K]
    rows = jnp.arange(x.shape[0])[:, None]  # [B, 1]
    top_k_mask = jnp.zeros_like(x)
    top_k_mask = top_k_mask.at[rows, indices].set(1.0)
    return x * top_k_mask

if __name__ == "__main__":
    import jax
    _d = setup_inputs()
    print(jax.jit(kernel)(*tuple(_d.values())))

</pallas_src>

<mosaic_0001>
#map = affine_map<(d0, d1) -> (0, 0)>
module attributes {stable_mosaic.version = 14 : i64} {
  func.func @_sc_body(%arg0: i32, %arg1: i32, %arg2: memref<128x32768xf32, #tpu.memory_space<hbm>>, %arg3: memref<128x32768xf32, #tpu.memory_space<hbm>>, %arg4: memref<32768xf32, #tpu.memory_space<vmem>>, %arg5: memref<65536xi32, #tpu.memory_space<vmem>>) attributes {dimension_semantics = [#tpu.dimension_semantics<core_parallel>, #tpu.dimension_semantics<subcore_parallel>], iteration_bounds = array<i64: 2, 16>, scalar_prefetch = 0 : i64, scratch_operands = 2 : i64, tpu.core_type = #tpu.core_type<sc_vector_subcore>, window_params = [{transform_indices = #map}, {transform_indices = #map}]} {
    %mul3A = arith.constant 2 : i32
    %mul3A_0 = arith.muli %arg1, %mul3A : i32
    %add3A = arith.addi %mul3A_0, %arg0 : i32
    %iota3A = tpu.iota {dimensions = array<i32: 0>} : vector<16xi32>
    %broadcast_in_dim3A = arith.constant 1 : i32
    %broadcast_in_dim3A_1 = vector.broadcast %broadcast_in_dim3A : i32 to vector<16xi32>
    %broadcast_in_dim3A_2 = arith.constant 0 : i32
    %broadcast_in_dim3A_3 = vector.broadcast %broadcast_in_dim3A_2 : i32 to vector<16xi32>
    %broadcast_in_dim3A_4 = arith.constant -2147483648 : i32
    %broadcast_in_dim3A_5 = vector.broadcast %broadcast_in_dim3A_4 : i32 to vector<16xi32>
    %broadcast_in_dim3A_6 = arith.constant 16 : i32
    %broadcast_in_dim3A_7 = vector.broadcast %broadcast_in_dim3A_6 : i32 to vector<16xi32>
    %broadcast_in_dim3A_8 = arith.constant 2.250000e+00 : f32
    %broadcast_in_dim3A_9 = vector.broadcast %broadcast_in_dim3A_8 : f32 to vector<16xf32>
    %broadcast_in_dim3A_10 = arith.constant 15 : i32
    %broadcast_in_dim3A_11 = vector.broadcast %broadcast_in_dim3A_10 : i32 to vector<16xi32>
    %broadcast_in_dim3A_12 = arith.constant -1 : i32
    %broadcast_in_dim3A_13 = vector.broadcast %broadcast_in_dim3A_12 : i32 to vector<16xi32>
    %scan3A = arith.constant 0 : i32
    %scan3A_14 = arith.constant 0 : i32
    %scan3A_15 = arith.constant 4 : i32
    %scan3A_16 = arith.addi %scan3A_14, %scan3A_15 : i32
    %scan3A_17 = arith.constant 1 : i32
    %scan3A_18 = scf.for %scan3A_20 = %scan3A_14 to %scan3A_16 step %scan3A_17 iter_args(%scan3A_21 = %scan3A) -> (i32)  : i32 {
      %mul3A_22 = arith.constant 4 : i32
      %mul3A_23 = arith.muli %add3A, %mul3A_22 : i32
      %add3A_24 = arith.addi %mul3A_23, %scan3A_20 : i32
      "tpu.trace_start"() <{level = 10 : i32, message = "dma_in"}> : () -> ()
      "tpu.region"() ({
        %run_scoped3A = tpu.sem_alloc : memref<!tpu.dma_semaphore, #tpu.memory_space<semaphore_mem>>
        %dma_start3A = arith.constant 0 : i32
        %dma_start3A_99 = tpu.memref_slice %arg2[%add3A_24, %dma_start3A] : memref<128x32768xf32, #tpu.memory_space<hbm>> -> memref<1x32768xf32, #tpu.memory_space<hbm>>
        %dma_start3A_100 = tpu.memref_squeeze %dma_start3A_99 : memref<1x32768xf32, #tpu.memory_space<hbm>> -> memref<32768xf32, #tpu.memory_space<hbm>>
        %dma_start3A_101 = arith.constant 0 : i32
        %dma_start3A_102 = tpu.memref_slice %arg2[%add3A_24, %dma_start3A_101] : memref<128x32768xf32, #tpu.memory_space<hbm>> -> memref<1x32768xf32, #tpu.memory_space<hbm>>
        %dma_start3A_103 = tpu.memref_squeeze %dma_start3A_102 : memref<1x32768xf32, #tpu.memory_space<hbm>> -> memref<32768xf32, #tpu.memory_space<hbm>>
        tpu.enqueue_dma source(%dma_start3A_103 : memref<32768xf32, #tpu.memory_space<hbm>>) target(%arg4 : memref<32768xf32, #tpu.memory_space<vmem>>) target_semaphore(%run_scoped3A : memref<!tpu.dma_semaphore, #tpu.memory_space<semaphore_mem>>)
        %dma_wait3A = arith.constant 0 : i32
        %dma_wait3A_104 = tpu.memref_slice %arg2[%add3A_24, %dma_wait3A] : memref<128x32768xf32, #tpu.memory_space<hbm>> -> memref<1x32768xf32, #tpu.memory_space<hbm>>
        %dma_wait3A_105 = tpu.memref_squeeze %dma_wait3A_104 : memref<1x32768xf32, #tpu.memory_space<hbm>> -> memref<32768xf32, #tpu.memory_space<hbm>>
        %dma_wait3A_106 = arith.constant 0 : i32
        %dma_wait3A_107 = tpu.memref_slice %arg2[%add3A_24, %dma_wait3A_106] : memref<128x32768xf32, #tpu.memory_space<hbm>> -> memref<1x32768xf32, #tpu.memory_space<hbm>>
        %dma_wait3A_108 = tpu.memref_squeeze %dma_wait3A_107 : memref<1x32768xf32, #tpu.memory_space<hbm>> -> memref<32768xf32, #tpu.memory_space<hbm>>
        tpu.wait_dma2 semaphore(%run_scoped3A : memref<!tpu.dma_semaphore, #tpu.memory_space<semaphore_mem>>) src(%dma_wait3A_108 : memref<32768xf32, #tpu.memory_space<hbm>>) dst(%arg4 : memref<32768xf32, #tpu.memory_space<vmem>>)
        tpu.yield
      }) : () -> ()
      %parallel_loop3A = arith.constant 0 : i32
      %parallel_loop3A_25 = arith.constant 2048 : i32
      %parallel_loop3A_26 = arith.constant 1 : i32
      "tpu.trace_stop"() : () -> ()
      "tpu.trace_start"() <{level = 10 : i32, message = "phase_a"}> : () -> ()
      %parallel_loop3A_27:2 = scf.for %parallel_loop3A_99 = %parallel_loop3A to %parallel_loop3A_25 step %parallel_loop3A_26 iter_args(%parallel_loop3A_100 = %iota3A, %parallel_loop3A_101 = %broadcast_in_dim3A_5) -> (vector<16xi32>, vector<16xi32>)  : i32 {
        %parallel_loop3A_102 = arith.constant 16 : i32
        %parallel_loop3A_103 = arith.muli %parallel_loop3A_99, %parallel_loop3A_102 : i32
        %parallel_loop3A_104 = arith.index_cast %parallel_loop3A_103 : i32 to index
        %parallel_loop3A_105 = tpu.vector_load %arg4[%parallel_loop3A_104] {strides = array<i32>} : memref<32768xf32, #tpu.memory_space<vmem>>, vector<16xf32>,
        %parallel_loop3A_106 = vector.bitcast %parallel_loop3A_105 : vector<16xf32> to vector<16xi32>
        %parallel_loop3A_107 = arith.cmpf oge, %parallel_loop3A_105, %broadcast_in_dim3A_9 : vector<16xf32>
        tpu.vector_store_idx %arg5[%parallel_loop3A_100], %parallel_loop3A_106 masked %parallel_loop3A_107 : memref<65536xi32, #tpu.memory_space<vmem>>[vector<16xi32>], vector<16xi32>, vector<16xi1>
        %parallel_loop3A_108 = arith.select %parallel_loop3A_107, %broadcast_in_dim3A_7, %broadcast_in_dim3A_3 : vector<16xi1>, vector<16xi32>
        %parallel_loop3A_109 = arith.addi %parallel_loop3A_100, %parallel_loop3A_108 : vector<16xi32>
        %parallel_loop3A_110 = arith.maxsi %parallel_loop3A_101, %parallel_loop3A_106 : vector<16xi32>
        scf.yield %parallel_loop3A_109, %parallel_loop3A_110 : vector<16xi32>, vector<16xi32>
      } {sc.loop_unroll_factor = 8 : i64, sc.parallel_access}
      %sub3A = arith.subi %parallel_loop3A_27#0, %iota3A : vector<16xi32>
      %shift_right_arithmetic3A = arith.constant 4 : i32
      %shift_right_arithmetic3A_28 = vector.broadcast %shift_right_arithmetic3A : i32 to vector<16xi32>
      %shift_right_arithmetic3A_29 = arith.shrsi %sub3A, %shift_right_arithmetic3A_28 : vector<16xi32>
      %reduce_sum3A = arith.constant true
      %reduce_sum3A_30 = vector.broadcast %reduce_sum3A : i1 to vector<16xi1>
      %reduce_sum3A_31 = tpu.scan <sum>, %shift_right_arithmetic3A_29 masked %reduce_sum3A_30 : vector<16xi32>, vector<16xi1> -> vector<16xi32>
      %reduce_sum3A_32 = vector.extract %reduce_sum3A_31[15] : i32 from vector<16xi32>
      %ge3A = arith.constant 256 : i32
      %ge3A_33 = arith.cmpi sge, %reduce_sum3A_32, %ge3A : i32
      %convert_element_type3A = arith.extui %ge3A_33 : i1 to i32
      %cond3A = arith.constant 0 : i32
      %cond3A_34 = arith.cmpi ne, %convert_element_type3A, %cond3A : i32
      %cond3A_35:3 = scf.if %cond3A_34 -> (vector<16xi32>, vector<16xi32>, vector<16xi32>) {
        %bitcast3A_99 = vector.bitcast %broadcast_in_dim3A_9 : vector<16xf32> to vector<16xi32>
        %broadcast_in_dim3A_100 = arith.constant 8 : i32
        %broadcast_in_dim3A_101 = vector.broadcast %broadcast_in_dim3A_100 : i32 to vector<16xi32>
        %xor3A_102 = arith.xori %iota3A, %broadcast_in_dim3A_101 : vector<16xi32>
        %lt3A_103 = arith.constant 0 : i32
        %lt3A_104 = vector.broadcast %lt3A_103 : i32 to vector<16xi32>
        %lt3A_105 = arith.cmpi slt, %xor3A_102, %lt3A_104 : vector<16xi32>
        %add3A_106 = arith.constant 16 : i32
        %add3A_107 = vector.broadcast %add3A_106 : i32 to vector<16xi32>
        %add3A_108 = arith.addi %xor3A_102, %add3A_107 : vector<16xi32>
        %select_n3A_109 = arith.select %lt3A_105, %add3A_108, %xor3A_102 : vector<16xi1>, vector<16xi32>
        %broadcast_in_dim3A_110 = vector.shape_cast %select_n3A_109 : vector<16xi32> to vector<16x1xi32>
        %gather3A = vector.shape_cast %broadcast_in_dim3A_110 : vector<16x1xi32> to vector<16xi32>
        %gather3A_111 = tpu.dynamic_gather %parallel_loop3A_27#1[%gather3A] in [0] : vector<16xi32>, vector<16xi32> -> vector<16xi32>
        %max3A_112 = arith.maxsi %parallel_loop3A_27#1, %gather3A_111 : vector<16xi32>
        %broadcast_in_dim3A_113 = arith.constant 4 : i32
        %broadcast_in_dim3A_114 = vector.broadcast %broadcast_in_dim3A_113 : i32 to vector<16xi32>
        %xor3A_115 = arith.xori %iota3A, %broadcast_in_dim3A_114 : vector<16xi32>
        %lt3A_116 = arith.constant 0 : i32
        %lt3A_117 = vector.broadcast %lt3A_116 : i32 to vector<16xi32>
        %lt3A_118 = arith.cmpi slt, %xor3A_115, %lt3A_117 : vector<16xi32>
        %add3A_119 = arith.constant 16 : i32
        %add3A_120 = vector.broadcast %add3A_119 : i32 to vector<16xi32>
        %add3A_121 = arith.addi %xor3A_115, %add3A_120 : vector<16xi32>
        %select_n3A_122 = arith.select %lt3A_118, %add3A_121, %xor3A_115 : vector<16xi1>, vector<16xi32>
        %broadcast_in_dim3A_123 = vector.shape_cast %select_n3A_122 : vector<16xi32> to vector<16x1xi32>
        %gather3A_124 = vector.shape_cast %broadcast_in_dim3A_123 : vector<16x1xi32> to vector<16xi32>
        %gather3A_125 = tpu.dynamic_gather %max3A_112[%gather3A_124] in [0] : vector<16xi32>, vector<16xi32> -> vector<16xi32>
        %max3A_126 = arith.maxsi %max3A_112, %gather3A_125 : vector<16xi32>
        %broadcast_in_dim3A_127 = arith.constant 2 : i32
        %broadcast_in_dim3A_128 = vector.broadcast %broadcast_in_dim3A_127 : i32 to vector<16xi32>
        %xor3A_129 = arith.xori %iota3A, %broadcast_in_dim3A_128 : vector<16xi32>
        %lt3A_130 = arith.constant 0 : i32
        %lt3A_131 = vector.broadcast %lt3A_130 : i32 to vector<16xi32>
        %lt3A_132 = arith.cmpi slt, %xor3A_129, %lt3A_131 : vector<16xi32>
        %add3A_133 = arith.constant 16 : i32
        %add3A_134 = vector.broadcast %add3A_133 : i32 to vector<16xi32>
        %add3A_135 = arith.addi %xor3A_129, %add3A_134 : vector<16xi32>
        %select_n3A_136 = arith.select %lt3A_132, %add3A_135, %xor3A_129 : vector<16xi1>, vector<16xi32>
        %broadcast_in_dim3A_137 = vector.shape_cast %select_n3A_136 : vector<16xi32> to vector<16x1xi32>
        %gather3A_138 = vector.shape_cast %broadcast_in_dim3A_137 : vector<16x1xi32> to vector<16xi32>
        %gather3A_139 = tpu.dynamic_gather %max3A_126[%gather3A_138] in [0] : vector<16xi32>, vector<16xi32> -> vector<16xi32>
        %max3A_140 = arith.maxsi %max3A_126, %gather3A_139 : vector<16xi32>
        %broadcast_in_dim3A_141 = arith.constant 1 : i32
        %broadcast_in_dim3A_142 = vector.broadcast %broadcast_in_dim3A_141 : i32 to vector<16xi32>
        %xor3A_143 = arith.xori %iota3A, %broadcast_in_dim3A_142 : vector<16xi32>
        %lt3A_144 = arith.constant 0 : i32
        %lt3A_145 = vector.broadcast %lt3A_144 : i32 to vector<16xi32>
        %lt3A_146 = arith.cmpi slt, %xor3A_143, %lt3A_145 : vector<16xi32>
        %add3A_147 = arith.constant 16 : i32
        %add3A_148 = vector.broadcast %add3A_147 : i32 to vector<16xi32>
        %add3A_149 = arith.addi %xor3A_143, %add3A_148 : vector<16xi32>
        %select_n3A_150 = arith.select %lt3A_146, %add3A_149, %xor3A_143 : vector<16xi1>, vector<16xi32>
        %broadcast_in_dim3A_151 = vector.shape_cast %select_n3A_150 : vector<16xi32> to vector<16x1xi32>
        %gather3A_152 = vector.shape_cast %broadcast_in_dim3A_151 : vector<16x1xi32> to vector<16xi32>
        %gather3A_153 = tpu.dynamic_gather %max3A_140[%gather3A_152] in [0] : vector<16xi32>, vector<16xi32> -> vector<16xi32>
        %max3A_154 = arith.maxsi %max3A_140, %gather3A_153 : vector<16xi32>
        scf.yield %parallel_loop3A_27#0, %bitcast3A_99, %max3A_154 : vector<16xi32>, vector<16xi32>, vector<16xi32>
      } else {
        %parallel_loop3A_99 = arith.constant 0 : i32
        %parallel_loop3A_100 = arith.constant 2048 : i32
        %parallel_loop3A_101 = arith.constant 1 : i32
        %parallel_loop3A_102:3 = scf.for %parallel_loop3A_213 = %parallel_loop3A_99 to %parallel_loop3A_100 step %parallel_loop3A_101 iter_args(%parallel_loop3A_214 = %iota3A, %parallel_loop3A_215 = %broadcast_in_dim3A_13, %parallel_loop3A_216 = %broadcast_in_dim3A_3) -> (vector<16xi32>, vector<16xi32>, vector<16xi32>)  : i32 {
          %parallel_loop3A_217 = arith.constant 16 : i32
          %parallel_loop3A_218 = arith.muli %parallel_loop3A_213, %parallel_loop3A_217 : i32
          %parallel_loop3A_219 = arith.index_cast %parallel_loop3A_218 : i32 to index
          %parallel_loop3A_220 = tpu.vector_load %arg4[%parallel_loop3A_219] {strides = array<i32>} : memref<32768xf32, #tpu.memory_space<vmem>>, vector<16xf32>,
          %parallel_loop3A_221 = vector.bitcast %parallel_loop3A_220 : vector<16xf32> to vector<16xi32>
          %parallel_loop3A_222 = arith.cmpi sge, %parallel_loop3A_221, %broadcast_in_dim3A_3 : vector<16xi32>
          %parallel_loop3A_223 = arith.subi %broadcast_in_dim3A_5, %parallel_loop3A_221 : vector<16xi32>
          %parallel_loop3A_224 = arith.select %parallel_loop3A_222, %parallel_loop3A_221, %parallel_loop3A_223 : vector<16xi1>, vector<16xi32>
          %parallel_loop3A_225 = arith.xori %parallel_loop3A_224, %broadcast_in_dim3A_5 : vector<16xi32>
          %parallel_loop3A_226 = arith.cmpf olt, %parallel_loop3A_220, %broadcast_in_dim3A_9 : vector<16xf32>
          tpu.vector_store_idx %arg5[%parallel_loop3A_214], %parallel_loop3A_225 masked %parallel_loop3A_226 : memref<65536xi32, #tpu.memory_space<vmem>>[vector<16xi32>], vector<16xi32>, vector<16xi1>
          %parallel_loop3A_227 = arith.select %parallel_loop3A_226, %parallel_loop3A_225, %broadcast_in_dim3A_13 : vector<16xi1>, vector<16xi32>
          %parallel_loop3A_228 = arith.andi %parallel_loop3A_215, %parallel_loop3A_227 : vector<16xi32>
          %parallel_loop3A_229 = arith.select %parallel_loop3A_226, %parallel_loop3A_225, %broadcast_in_dim3A_3 : vector<16xi1>, vector<16xi32>
          %parallel_loop3A_230 = arith.ori %parallel_loop3A_216, %parallel_loop3A_229 : vector<16xi32>
          %parallel_loop3A_231 = arith.select %parallel_loop3A_226, %broadcast_in_dim3A_7, %broadcast_in_dim3A_3 : vector<16xi1>, vector<16xi32>
          %parallel_loop3A_232 = arith.addi %parallel_loop3A_214, %parallel_loop3A_231 : vector<16xi32>
          scf.yield %parallel_loop3A_232, %parallel_loop3A_228, %parallel_loop3A_230 : vector<16xi32>, vector<16xi32>, vector<16xi32>
        } {sc.loop_unroll_factor = 8 : i64, sc.parallel_access}
        %broadcast_in_dim3A_103 = arith.constant 8 : i32
        %broadcast_in_dim3A_104 = vector.broadcast %broadcast_in_dim3A_103 : i32 to vector<16xi32>
        %xor3A_105 = arith.xori %iota3A, %broadcast_in_dim3A_104 : vector<16xi32>
        %lt3A_106 = arith.constant 0 : i32
        %lt3A_107 = vector.broadcast %lt3A_106 : i32 to vector<16xi32>
        %lt3A_108 = arith.cmpi slt, %xor3A_105, %lt3A_107 : vector<16xi32>
        %add3A_109 = arith.constant 16 : i32
        %add3A_110 = vector.broadcast %add3A_109 : i32 to vector<16xi32>
        %add3A_111 = arith.addi %xor3A_105, %add3A_110 : vector<16xi32>
        %select_n3A_112 = arith.select %lt3A_108, %add3A_111, %xor3A_105 : vector<16xi1>, vector<16xi32>
        %broadcast_in_dim3A_113 = vector.shape_cast %select_n3A_112 : vector<16xi32> to vector<16x1xi32>
        %gather3A = vector.shape_cast %broadcast_in_dim3A_113 : vector<16x1xi32> to vector<16xi32>
        %gather3A_114 = tpu.dynamic_gather %parallel_loop3A_102#1[%gather3A] in [0] : vector<16xi32>, vector<16xi32> -> vector<16xi32>
        %and3A_115 = arith.andi %parallel_loop3A_102#1, %gather3A_114 : vector<16xi32>
        %broadcast_in_dim3A_116 = arith.constant 4 : i32
        %broadcast_in_dim3A_117 = vector.broadcast %broadcast_in_dim3A_116 : i32 to vector<16xi32>
        %xor3A_118 = arith.xori %iota3A, %broadcast_in_dim3A_117 : vector<16xi32>
        %lt3A_119 = arith.constant 0 : i32
        %lt3A_120 = vector.broadcast %lt3A_119 : i32 to vector<16xi32>
        %lt3A_121 = arith.cmpi slt, %xor3A_118, %lt3A_120 : vector<16xi32>
        %add3A_122 = arith.constant 16 : i32
        %add3A_123 = vector.broadcast %add3A_122 : i32 to vector<16xi32>
        %add3A_124 = arith.addi %xor3A_118, %add3A_123 : vector<16xi32>
        %select_n3A_125 = arith.select %lt3A_121, %add3A_124, %xor3A_118 : vector<16xi1>, vector<16xi32>
        %broadcast_in_dim3A_126 = vector.shape_cast %select_n3A_125 : vector<16xi32> to vector<16x1xi32>
        %gather3A_127 = vector.shape_cast %broadcast_in_dim3A_126 : vector<16x1xi32> to vector<16xi32>
        %gather3A_128 = tpu.dynamic_gather %and3A_115[%gather3A_127] in [0] : vector<16xi32>, vector<16xi32> -> vector<16xi32>
        %and3A_129 = arith.andi %and3A_115, %gather3A_128 : vector<16xi32>
        %broadcast_in_dim3A_130 = arith.constant 2 : i32
        %broadcast_in_dim3A_131 = vector.broadcast %broadcast_in_dim3A_130 : i32 to vector<16xi32>
        %xor3A_132 = arith.xori %iota3A, %broadcast_in_dim3A_131 : vector<16xi32>
        %lt3A_133 = arith.constant 0 : i32
        %lt3A_134 = vector.broadcast %lt3A_133 : i32 to vector<16xi32>
        %lt3A_135 = arith.cmpi slt, %xor3A_132, %lt3A_134 : vector<16xi32>
        %add3A_136 = arith.constant 16 : i32
        %add3A_137 = vector.broadcast %add3A_136 : i32 to vector<16xi32>
        %add3A_138 = arith.addi %xor3A_132, %add3A_137 : vector<16xi32>
        %select_n3A_139 = arith.select %lt3A_135, %add3A_138, %xor3A_132 : vector<16xi1>, vector<16xi32>
        %broadcast_in_dim3A_140 = vector.shape_cast %select_n3A_139 : vector<16xi32> to vector<16x1xi32>
        %gather3A_141 = vector.shape_cast %broadcast_in_dim3A_140 : vector<16x1xi32> to vector<16xi32>
        %gather3A_142 = tpu.dynamic_gather %and3A_129[%gather3A_141] in [0] : vector<16xi32>, vector<16xi32> -> vector<16xi32>
        %and3A_143 = arith.andi %and3A_129, %gather3A_142 : vector<16xi32>
        %broadcast_in_dim3A_144 = arith.constant 1 : i32
        %broadcast_in_dim3A_145 = vector.broadcast %broadcast_in_dim3A_144 : i32 to vector<16xi32>
        %xor3A_146 = arith.xori %iota3A, %broadcast_in_dim3A_145 : vector<16xi32>
        %lt3A_147 = arith.constant 0 : i32
        %lt3A_148 = vector.broadcast %lt3A_147 : i32 to vector<16xi32>
        %lt3A_149 = arith.cmpi slt, %xor3A_146, %lt3A_148 : vector<16xi32>
        %add3A_150 = arith.constant 16 : i32
        %add3A_151 = vector.broadcast %add3A_150 : i32 to vector<16xi32>
        %add3A_152 = arith.addi %xor3A_146, %add3A_151 : vector<16xi32>
        %select_n3A_153 = arith.select %lt3A_149, %add3A_152, %xor3A_146 : vector<16xi1>, vector<16xi32>
        %broadcast_in_dim3A_154 = vector.shape_cast %select_n3A_153 : vector<16xi32> to vector<16x1xi32>
        %gather3A_155 = vector.shape_cast %broadcast_in_dim3A_154 : vector<16x1xi32> to vector<16xi32>
        %gather3A_156 = tpu.dynamic_gather %and3A_143[%gather3A_155] in [0] : vector<16xi32>, vector<16xi32> -> vector<16xi32>
        %and3A_157 = arith.andi %and3A_143, %gather3A_156 : vector<16xi32>
        %broadcast_in_dim3A_158 = arith.constant 8 : i32
        %broadcast_in_dim3A_159 = vector.broadcast %broadcast_in_dim3A_158 : i32 to vector<16xi32>
        %xor3A_160 = arith.xori %iota3A, %broadcast_in_dim3A_159 : vector<16xi32>
        %lt3A_161 = arith.constant 0 : i32
        %lt3A_162 = vector.broadcast %lt3A_161 : i32 to vector<16xi32>
        %lt3A_163 = arith.cmpi slt, %xor3A_160, %lt3A_162 : vector<16xi32>
        %add3A_164 = arith.constant 16 : i32
        %add3A_165 = vector.broadcast %add3A_164 : i32 to vector<16xi32>
        %add3A_166 = arith.addi %xor3A_160, %add3A_165 : vector<16xi32>
        %select_n3A_167 = arith.select %lt3A_163, %add3A_166, %xor3A_160 : vector<16xi1>, vector<16xi32>
        %broadcast_in_dim3A_168 = vector.shape_cast %select_n3A_167 : vector<16xi32> to vector<16x1xi32>
        %gather3A_169 = vector.shape_cast %broadcast_in_dim3A_168 : vector<16x1xi32> to vector<16xi32>
        %gather3A_170 = tpu.dynamic_gather %parallel_loop3A_102#2[%gather3A_169] in [0] : vector<16xi32>, vector<16xi32> -> vector<16xi32>
        %or3A = arith.ori %parallel_loop3A_102#2, %gather3A_170 : vector<16xi32>
        %broadcast_in_dim3A_171 = arith.constant 4 : i32
        %broadcast_in_dim3A_172 = vector.broadcast %broadcast_in_dim3A_171 : i32 to vector<16xi32>
        %xor3A_173 = arith.xori %iota3A, %broadcast_in_dim3A_172 : vector<16xi32>
        %lt3A_174 = arith.constant 0 : i32
        %lt3A_175 = vector.broadcast %lt3A_174 : i32 to vector<16xi32>
        %lt3A_176 = arith.cmpi slt, %xor3A_173, %lt3A_175 : vector<16xi32>
        %add3A_177 = arith.constant 16 : i32
        %add3A_178 = vector.broadcast %add3A_177 : i32 to vector<16xi32>
        %add3A_179 = arith.addi %xor3A_173, %add3A_178 : vector<16xi32>
        %select_n3A_180 = arith.select %lt3A_176, %add3A_179, %xor3A_173 : vector<16xi1>, vector<16xi32>
        %broadcast_in_dim3A_181 = vector.shape_cast %select_n3A_180 : vector<16xi32> to vector<16x1xi32>
        %gather3A_182 = vector.shape_cast %broadcast_in_dim3A_181 : vector<16x1xi32> to vector<16xi32>
        %gather3A_183 = tpu.dynamic_gather %or3A[%gather3A_182] in [0] : vector<16xi32>, vector<16xi32> -> vector<16xi32>
        %or3A_184 = arith.ori %or3A, %gather3A_183 : vector<16xi32>
        %broadcast_in_dim3A_185 = arith.constant 2 : i32
        %broadcast_in_dim3A_186 = vector.broadcast %broadcast_in_dim3A_185 : i32 to vector<16xi32>
        %xor3A_187 = arith.xori %iota3A, %broadcast_in_dim3A_186 : vector<16xi32>
        %lt3A_188 = arith.constant 0 : i32
        %lt3A_189 = vector.broadcast %lt3A_188 : i32 to vector<16xi32>
        %lt3A_190 = arith.cmpi slt, %xor3A_187, %lt3A_189 : vector<16xi32>
        %add3A_191 = arith.constant 16 : i32
        %add3A_192 = vector.broadcast %add3A_191 : i32 to vector<16xi32>
        %add3A_193 = arith.addi %xor3A_187, %add3A_192 : vector<16xi32>
        %select_n3A_194 = arith.select %lt3A_190, %add3A_193, %xor3A_187 : vector<16xi1>, vector<16xi32>
        %broadcast_in_dim3A_195 = vector.shape_cast %select_n3A_194 : vector<16xi32> to vector<16x1xi32>
        %gather3A_196 = vector.shape_cast %broadcast_in_dim3A_195 : vector<16x1xi32> to vector<16xi32>
        %gather3A_197 = tpu.dynamic_gather %or3A_184[%gather3A_196] in [0] : vector<16xi32>, vector<16xi32> -> vector<16xi32>
        %or3A_198 = arith.ori %or3A_184, %gather3A_197 : vector<16xi32>
        %broadcast_in_dim3A_199 = arith.constant 1 : i32
        %broadcast_in_dim3A_200 = vector.broadcast %broadcast_in_dim3A_199 : i32 to vector<16xi32>
        %xor3A_201 = arith.xori %iota3A, %broadcast_in_dim3A_200 : vector<16xi32>
        %lt3A_202 = arith.constant 0 : i32
        %lt3A_203 = vector.broadcast %lt3A_202 : i32 to vector<16xi32>
        %lt3A_204 = arith.cmpi slt, %xor3A_201, %lt3A_203 : vector<16xi32>
        %add3A_205 = arith.constant 16 : i32
        %add3A_206 = vector.broadcast %add3A_205 : i32 to vector<16xi32>
        %add3A_207 = arith.addi %xor3A_201, %add3A_206 : vector<16xi32>
        %select_n3A_208 = arith.select %lt3A_204, %add3A_207, %xor3A_201 : vector<16xi1>, vector<16xi32>
        %broadcast_in_dim3A_209 = vector.shape_cast %select_n3A_208 : vector<16xi32> to vector<16x1xi32>
        %gather3A_210 = vector.shape_cast %broadcast_in_dim3A_209 : vector<16x1xi32> to vector<16xi32>
        %gather3A_211 = tpu.dynamic_gather %or3A_198[%gather3A_210] in [0] : vector<16xi32>, vector<16xi32> -> vector<16xi32>
        %or3A_212 = arith.ori %or3A_198, %gather3A_211 : vector<16xi32>
        scf.yield %parallel_loop3A_102#0, %and3A_157, %or3A_212 : vector<16xi32>, vector<16xi32>, vector<16xi32>
      }
      "tpu.trace_stop"() : () -> ()
      %broadcast_in_dim3A_36 = vector.broadcast %ge3A_33 : i1 to vector<16xi1>
      %sub3A_37 = arith.subi %cond3A_35#0, %iota3A : vector<16xi32>
      %reduce_max3A = arith.constant true
      %reduce_max3A_38 = vector.broadcast %reduce_max3A : i1 to vector<16xi1>
      %reduce_max3A_39 = arith.constant -2147483648 : i32
      %reduce_max3A_40 = vector.broadcast %reduce_max3A_39 : i32 to vector<16xi32>
      %reduce_max3A_41 = arith.xori %sub3A_37, %reduce_max3A_40 : vector<16xi32>
      %reduce_max3A_42 = tpu.scan <max>, %reduce_max3A_41 masked %reduce_max3A_38 : vector<16xi32>, vector<16xi1> -> vector<16xi32>
      %reduce_max3A_43 = arith.xori %reduce_max3A_42, %reduce_max3A_40 : vector<16xi32>
      %reduce_max3A_44 = vector.extract %reduce_max3A_43[15] : i32 from vector<16xi32>
      %shift_right_arithmetic3A_45 = arith.constant 4 : i32
      %shift_right_arithmetic3A_46 = arith.shrsi %reduce_max3A_44, %shift_right_arithmetic3A_45 : i32
      %xor3A = arith.xori %cond3A_35#1, %cond3A_35#2 : vector<16xi32>
      %convert_element_type3A_47 = arith.sitofp %xor3A : vector<16xi32> to vector<16xf32>
      %bitcast3A = vector.bitcast %convert_element_type3A_47 : vector<16xf32> to vector<16xi32>
      %lt3A = arith.cmpi slt, %xor3A, %broadcast_in_dim3A_3 : vector<16xi32>
      %broadcast_in_dim3A_48 = arith.constant 31 : i32
      %broadcast_in_dim3A_49 = vector.broadcast %broadcast_in_dim3A_48 : i32 to vector<16xi32>
      %shift_right_arithmetic3A_50 = arith.constant 23 : i32
      %shift_right_arithmetic3A_51 = vector.broadcast %shift_right_arithmetic3A_50 : i32 to vector<16xi32>
      %shift_right_arithmetic3A_52 = arith.shrsi %bitcast3A, %shift_right_arithmetic3A_51 : vector<16xi32>
      %broadcast_in_dim3A_53 = arith.constant 127 : i32
      %broadcast_in_dim3A_54 = vector.broadcast %broadcast_in_dim3A_53 : i32 to vector<16xi32>
      %sub3A_55 = arith.subi %shift_right_arithmetic3A_52, %broadcast_in_dim3A_54 : vector<16xi32>
      %max3A = arith.maxsi %sub3A_55, %broadcast_in_dim3A_3 : vector<16xi32>
      %select_n3A = arith.select %lt3A, %broadcast_in_dim3A_49, %max3A : vector<16xi1>, vector<16xi32>
      %shift_left3A = arith.shli %broadcast_in_dim3A_1, %select_n3A : vector<16xi32>
      %shift_left3A_56 = arith.shli %shift_left3A, %broadcast_in_dim3A_1 : vector<16xi32>
      %sub3A_57 = arith.subi %shift_left3A_56, %broadcast_in_dim3A_1 : vector<16xi32>
      %not3A = arith.constant dense<-1> : vector<16xi32>
      %not3A_58 = arith.xori %sub3A_57, %not3A : vector<16xi32>
      %and3A = arith.andi %cond3A_35#1, %not3A_58 : vector<16xi32>
      %reduce_max3A_59 = arith.constant true
      %reduce_max3A_60 = vector.broadcast %reduce_max3A_59 : i1 to vector<16xi1>
      %reduce_max3A_61 = arith.constant -2147483648 : i32
      %reduce_max3A_62 = vector.broadcast %reduce_max3A_61 : i32 to vector<16xi32>
      %reduce_max3A_63 = arith.xori %select_n3A, %reduce_max3A_62 : vector<16xi32>
      %reduce_max3A_64 = tpu.scan <max>, %reduce_max3A_63 masked %reduce_max3A_60 : vector<16xi32>, vector<16xi1> -> vector<16xi32>
      %reduce_max3A_65 = arith.xori %reduce_max3A_64, %reduce_max3A_62 : vector<16xi32>
      %reduce_max3A_66 = vector.extract %reduce_max3A_65[15] : i32 from vector<16xi32>
      %add3A_67 = arith.constant 1 : i32
      %add3A_68 = arith.addi %reduce_max3A_66, %add3A_67 : i32
      %broadcast_in_dim3A_69 = arith.constant 256 : i32
      %broadcast_in_dim3A_70 = vector.broadcast %broadcast_in_dim3A_69 : i32 to vector<16xi32>
      %broadcast_in_dim3A_71 = arith.constant 256 : i32
      %broadcast_in_dim3A_72 = vector.broadcast %broadcast_in_dim3A_71 : i32 to vector<16xi32>
      %broadcast_in_dim3A_73 = vector.broadcast %reduce_sum3A_32 : i32 to vector<16xi32>
      %sub3A_74 = arith.subi %broadcast_in_dim3A_72, %broadcast_in_dim3A_73 : vector<16xi32>
      %select_n3A_75 = arith.select %broadcast_in_dim3A_36, %broadcast_in_dim3A_70, %sub3A_74 : vector<16xi1>, vector<16xi32>
      %while3A = arith.constant 0 : i32
      %while3A_76 = arith.constant 32768 : i32
      "tpu.trace_start"() <{level = 10 : i32, message = "phase_b"}> : () -> ()
      %while3A_77 = arith.subi %add3A_68, %while3A : i32
      %while3A_78 = arith.addi %while3A, %while3A_77 : i32
      %while3A_79 = arith.constant 1 : i32
      %while3A_80 = arith.divsi %while3A_77, %while3A_79 : i32
      %while3A_81 = arith.muli %while3A_80, %while3A_79 : i32
      %while3A_82 = arith.addi %while3A, %while3A_81 : i32
      %while3A_83 = arith.constant 1 : i32
      %while3A_84:6 = scf.for %while3A_99 = %while3A to %while3A_82 step %while3A_83 iter_args(%while3A_100 = %shift_left3A, %while3A_101 = %and3A, %while3A_102 = %select_n3A_75, %while3A_103 = %iota3A, %while3A_104 = %cond3A_35#0, %while3A_105 = %while3A_76) -> (vector<16xi32>, vector<16xi32>, vector<16xi32>, vector<16xi32>, vector<16xi32>, i32)  : i32 {
        %broadcast_in_dim3A_106 = vector.broadcast %while3A_105 : i32 to vector<16xi32>
        %add3A_107 = arith.addi %broadcast_in_dim3A_106, %iota3A : vector<16xi32>
        %add3A_108 = arith.addi %broadcast_in_dim3A_106, %iota3A : vector<16xi32>
        %broadcast_in_dim3A_109 = arith.constant 32752 : i32
        %broadcast_in_dim3A_110 = vector.broadcast %broadcast_in_dim3A_109 : i32 to vector<16xi32>
        %add3A_111 = arith.addi %add3A_108, %broadcast_in_dim3A_110 : vector<16xi32>
        %parallel_loop3A_112 = arith.constant 0 : i32
        %parallel_loop3A_113 = arith.constant 1 : i32
        %parallel_loop3A_114:3 = scf.for %parallel_loop3A_143 = %parallel_loop3A_112 to %shift_right_arithmetic3A_46 step %parallel_loop3A_113 iter_args(%parallel_loop3A_144 = %add3A_107, %parallel_loop3A_145 = %add3A_111, %parallel_loop3A_146 = %while3A_103) -> (vector<16xi32>, vector<16xi32>, vector<16xi32>)  : i32 {
          %parallel_loop3A_147 = tpu.vector_load_idx %arg5[%parallel_loop3A_146] : memref<65536xi32, #tpu.memory_space<vmem>>[vector<16xi32>], vector<16xi32>,
          %parallel_loop3A_148 = arith.cmpi slt, %parallel_loop3A_146, %while3A_104 : vector<16xi32>
          %parallel_loop3A_149 = arith.andi %parallel_loop3A_147, %while3A_100 : vector<16xi32>
          %parallel_loop3A_150 = arith.cmpi ne, %parallel_loop3A_149, %broadcast_in_dim3A_3 : vector<16xi32>
          %parallel_loop3A_151 = arith.andi %parallel_loop3A_148, %parallel_loop3A_150 : vector<16xi1>
          %parallel_loop3A_152 = arith.constant dense<true> : vector<16xi1>
          %parallel_loop3A_153 = arith.xori %parallel_loop3A_150, %parallel_loop3A_152 : vector<16xi1>
          %parallel_loop3A_154 = arith.andi %parallel_loop3A_148, %parallel_loop3A_153 : vector<16xi1>
          %parallel_loop3A_155 = arith.select %parallel_loop3A_150, %parallel_loop3A_144, %parallel_loop3A_145 : vector<16xi1>, vector<16xi32>
          tpu.vector_store_idx %arg5[%parallel_loop3A_155], %parallel_loop3A_147 masked %parallel_loop3A_148 : memref<65536xi32, #tpu.memory_space<vmem>>[vector<16xi32>], vector<16xi32>, vector<16xi1>
          %parallel_loop3A_156 = arith.select %parallel_loop3A_151, %broadcast_in_dim3A_7, %broadcast_in_dim3A_3 : vector<16xi1>, vector<16xi32>
          %parallel_loop3A_157 = arith.addi %parallel_loop3A_144, %parallel_loop3A_156 : vector<16xi32>
          %parallel_loop3A_158 = arith.select %parallel_loop3A_154, %broadcast_in_dim3A_7, %broadcast_in_dim3A_3 : vector<16xi1>, vector<16xi32>
          %parallel_loop3A_159 = arith.subi %parallel_loop3A_145, %parallel_loop3A_158 : vector<16xi32>
          %parallel_loop3A_160 = arith.addi %parallel_loop3A_146, %broadcast_in_dim3A_7 : vector<16xi32>
          scf.yield %parallel_loop3A_157, %parallel_loop3A_159, %parallel_loop3A_160 : vector<16xi32>, vector<16xi32>, vector<16xi32>
        } {sc.loop_unroll_factor = 4 : i64, sc.parallel_access}
        %sub3A_115 = arith.subi %parallel_loop3A_114#0, %add3A_107 : vector<16xi32>
        %shift_right_arithmetic3A_116 = arith.constant 4 : i32
        %shift_right_arithmetic3A_117 = vector.broadcast %shift_right_arithmetic3A_116 : i32 to vector<16xi32>
        %shift_right_arithmetic3A_118 = arith.shrsi %sub3A_115, %shift_right_arithmetic3A_117 : vector<16xi32>
        %broadcast_in_dim3A_119 = arith.constant true
        %broadcast_in_dim3A_120 = vector.broadcast %broadcast_in_dim3A_119 : i1 to vector<16xi1>
        %masked_cumsum3A = tpu.scan <sum>, %shift_right_arithmetic3A_118 masked %broadcast_in_dim3A_120 : vector<16xi32>, vector<16xi1> -> vector<16xi32>
        %lt3A_121 = arith.constant 0 : i32
        %lt3A_122 = vector.broadcast %lt3A_121 : i32 to vector<16xi32>
        %lt3A_123 = arith.cmpi slt, %broadcast_in_dim3A_11, %lt3A_122 : vector<16xi32>
        %add3A_124 = arith.constant 16 : i32
        %add3A_125 = vector.broadcast %add3A_124 : i32 to vector<16xi32>
        %add3A_126 = arith.addi %broadcast_in_dim3A_11, %add3A_125 : vector<16xi32>
        %select_n3A_127 = arith.select %lt3A_123, %add3A_126, %broadcast_in_dim3A_11 : vector<16xi1>, vector<16xi32>
        %broadcast_in_dim3A_128 = vector.shape_cast %select_n3A_127 : vector<16xi32> to vector<16x1xi32>
        %gather3A = vector.shape_cast %broadcast_in_dim3A_128 : vector<16x1xi32> to vector<16xi32>
        %gather3A_129 = tpu.dynamic_gather %masked_cumsum3A[%gather3A] in [0] : vector<16xi32>, vector<16xi32> -> vector<16xi32>
        %ge3A_130 = arith.cmpi sge, %gather3A_129, %while3A_102 : vector<16xi32>
        %add3A_131 = arith.addi %parallel_loop3A_114#1, %broadcast_in_dim3A_7 : vector<16xi32>
        %select_n3A_132 = arith.select %ge3A_130, %add3A_107, %add3A_131 : vector<16xi1>, vector<16xi32>
        %add3A_133 = arith.addi %broadcast_in_dim3A_106, %iota3A : vector<16xi32>
        %broadcast_in_dim3A_134 = arith.constant 32768 : i32
        %broadcast_in_dim3A_135 = vector.broadcast %broadcast_in_dim3A_134 : i32 to vector<16xi32>
        %add3A_136 = arith.addi %add3A_133, %broadcast_in_dim3A_135 : vector<16xi32>
        %select_n3A_137 = arith.select %ge3A_130, %parallel_loop3A_114#0, %add3A_136 : vector<16xi1>, vector<16xi32>
        %sub3A_138 = arith.subi %while3A_102, %gather3A_129 : vector<16xi32>
        %select_n3A_139 = arith.select %ge3A_130, %while3A_102, %sub3A_138 : vector<16xi1>, vector<16xi32>
        %or3A = arith.ori %while3A_101, %while3A_100 : vector<16xi32>
        %select_n3A_140 = arith.select %ge3A_130, %or3A, %while3A_101 : vector<16xi1>, vector<16xi32>
        %shift_right_logical3A = arith.shrui %while3A_100, %broadcast_in_dim3A_1 : vector<16xi32>
        %sub3A_141 = arith.constant 32768 : i32
        %sub3A_142 = arith.subi %sub3A_141, %while3A_105 : i32
        scf.yield %shift_right_logical3A, %select_n3A_140, %select_n3A_139, %select_n3A_132, %select_n3A_137, %sub3A_142 : vector<16xi32>, vector<16xi32>, vector<16xi32>, vector<16xi32>, vector<16xi32>, i32
      }
      %while3A_85 = arith.constant 1 : i32
      %while3A_86:6 = scf.for %while3A_99 = %while3A_82 to %while3A_78 step %while3A_85 iter_args(%while3A_100 = %while3A_84#0, %while3A_101 = %while3A_84#1, %while3A_102 = %while3A_84#2, %while3A_103 = %while3A_84#3, %while3A_104 = %while3A_84#4, %while3A_105 = %while3A_84#5) -> (vector<16xi32>, vector<16xi32>, vector<16xi32>, vector<16xi32>, vector<16xi32>, i32)  : i32 {
        %broadcast_in_dim3A_106 = vector.broadcast %while3A_105 : i32 to vector<16xi32>
        %add3A_107 = arith.addi %broadcast_in_dim3A_106, %iota3A : vector<16xi32>
        %add3A_108 = arith.addi %broadcast_in_dim3A_106, %iota3A : vector<16xi32>
        %broadcast_in_dim3A_109 = arith.constant 32752 : i32
        %broadcast_in_dim3A_110 = vector.broadcast %broadcast_in_dim3A_109 : i32 to vector<16xi32>
        %add3A_111 = arith.addi %add3A_108, %broadcast_in_dim3A_110 : vector<16xi32>
        %parallel_loop3A_112 = arith.constant 0 : i32
        %parallel_loop3A_113 = arith.constant 1 : i32
        %parallel_loop3A_114:3 = scf.for %parallel_loop3A_143 = %parallel_loop3A_112 to %shift_right_arithmetic3A_46 step %parallel_loop3A_113 iter_args(%parallel_loop3A_144 = %add3A_107, %parallel_loop3A_145 = %add3A_111, %parallel_loop3A_146 = %while3A_103) -> (vector<16xi32>, vector<16xi32>, vector<16xi32>)  : i32 {
          %parallel_loop3A_147 = tpu.vector_load_idx %arg5[%parallel_loop3A_146] : memref<65536xi32, #tpu.memory_space<vmem>>[vector<16xi32>], vector<16xi32>,
          %parallel_loop3A_148 = arith.cmpi slt, %parallel_loop3A_146, %while3A_104 : vector<16xi32>
          %parallel_loop3A_149 = arith.andi %parallel_loop3A_147, %while3A_100 : vector<16xi32>
          %parallel_loop3A_150 = arith.cmpi ne, %parallel_loop3A_149, %broadcast_in_dim3A_3 : vector<16xi32>
          %parallel_loop3A_151 = arith.andi %parallel_loop3A_148, %parallel_loop3A_150 : vector<16xi1>
          %parallel_loop3A_152 = arith.constant dense<true> : vector<16xi1>
          %parallel_loop3A_153 = arith.xori %parallel_loop3A_150, %parallel_loop3A_152 : vector<16xi1>
          %parallel_loop3A_154 = arith.andi %parallel_loop3A_148, %parallel_loop3A_153 : vector<16xi1>
          %parallel_loop3A_155 = arith.select %parallel_loop3A_150, %parallel_loop3A_144, %parallel_loop3A_145 : vector<16xi1>, vector<16xi32>
          tpu.vector_store_idx %arg5[%parallel_loop3A_155], %parallel_loop3A_147 masked %parallel_loop3A_148 : memref<65536xi32, #tpu.memory_space<vmem>>[vector<16xi32>], vector<16xi32>, vector<16xi1>
          %parallel_loop3A_156 = arith.select %parallel_loop3A_151, %broadcast_in_dim3A_7, %broadcast_in_dim3A_3 : vector<16xi1>, vector<16xi32>
          %parallel_loop3A_157 = arith.addi %parallel_loop3A_144, %parallel_loop3A_156 : vector<16xi32>
          %parallel_loop3A_158 = arith.select %parallel_loop3A_154, %broadcast_in_dim3A_7, %broadcast_in_dim3A_3 : vector<16xi1>, vector<16xi32>
          %parallel_loop3A_159 = arith.subi %parallel_loop3A_145, %parallel_loop3A_158 : vector<16xi32>
          %parallel_loop3A_160 = arith.addi %parallel_loop3A_146, %broadcast_in_dim3A_7 : vector<16xi32>
          scf.yield %parallel_loop3A_157, %parallel_loop3A_159, %parallel_loop3A_160 : vector<16xi32>, vector<16xi32>, vector<16xi32>
        } {sc.loop_unroll_factor = 4 : i64, sc.parallel_access}
        %sub3A_115 = arith.subi %parallel_loop3A_114#0, %add3A_107 : vector<16xi32>
        %shift_right_arithmetic3A_116 = arith.constant 4 : i32
        %shift_right_arithmetic3A_117 = vector.broadcast %shift_right_arithmetic3A_116 : i32 to vector<16xi32>
        %shift_right_arithmetic3A_118 = arith.shrsi %sub3A_115, %shift_right_arithmetic3A_117 : vector<16xi32>
        %broadcast_in_dim3A_119 = arith.constant true
        %broadcast_in_dim3A_120 = vector.broadcast %broadcast_in_dim3A_119 : i1 to vector<16xi1>
        %masked_cumsum3A = tpu.scan <sum>, %shift_right_arithmetic3A_118 masked %broadcast_in_dim3A_120 : vector<16xi32>, vector<16xi1> -> vector<16xi32>
        %lt3A_121 = arith.constant 0 : i32
        %lt3A_122 = vector.broadcast %lt3A_121 : i32 to vector<16xi32>
        %lt3A_123 = arith.cmpi slt, %broadcast_in_dim3A_11, %lt3A_122 : vector<16xi32>
        %add3A_124 = arith.constant 16 : i32
        %add3A_125 = vector.broadcast %add3A_124 : i32 to vector<16xi32>
        %add3A_126 = arith.addi %broadcast_in_dim3A_11, %add3A_125 : vector<16xi32>
        %select_n3A_127 = arith.select %lt3A_123, %add3A_126, %broadcast_in_dim3A_11 : vector<16xi1>, vector<16xi32>
        %broadcast_in_dim3A_128 = vector.shape_cast %select_n3A_127 : vector<16xi32> to vector<16x1xi32>
        %gather3A = vector.shape_cast %broadcast_in_dim3A_128 : vector<16x1xi32> to vector<16xi32>
        %gather3A_129 = tpu.dynamic_gather %masked_cumsum3A[%gather3A] in [0] : vector<16xi32>, vector<16xi32> -> vector<16xi32>
        %ge3A_130 = arith.cmpi sge, %gather3A_129, %while3A_102 : vector<16xi32>
        %add3A_131 = arith.addi %parallel_loop3A_114#1, %broadcast_in_dim3A_7 : vector<16xi32>
        %select_n3A_132 = arith.select %ge3A_130, %add3A_107, %add3A_131 : vector<16xi1>, vector<16xi32>
        %add3A_133 = arith.addi %broadcast_in_dim3A_106, %iota3A : vector<16xi32>
        %broadcast_in_dim3A_134 = arith.constant 32768 : i32
        %broadcast_in_dim3A_135 = vector.broadcast %broadcast_in_dim3A_134 : i32 to vector<16xi32>
        %add3A_136 = arith.addi %add3A_133, %broadcast_in_dim3A_135 : vector<16xi32>
        %select_n3A_137 = arith.select %ge3A_130, %parallel_loop3A_114#0, %add3A_136 : vector<16xi1>, vector<16xi32>
        %sub3A_138 = arith.subi %while3A_102, %gather3A_129 : vector<16xi32>
        %select_n3A_139 = arith.select %ge3A_130, %while3A_102, %sub3A_138 : vector<16xi1>, vector<16xi32>
        %or3A = arith.ori %while3A_101, %while3A_100 : vector<16xi32>
        %select_n3A_140 = arith.select %ge3A_130, %or3A, %while3A_101 : vector<16xi1>, vector<16xi32>
        %shift_right_logical3A = arith.shrui %while3A_100, %broadcast_in_dim3A_1 : vector<16xi32>
        %sub3A_141 = arith.constant 32768 : i32
        %sub3A_142 = arith.subi %sub3A_141, %while3A_105 : i32
        scf.yield %shift_right_logical3A, %select_n3A_140, %select_n3A_139, %select_n3A_132, %select_n3A_137, %sub3A_142 : vector<16xi32>, vector<16xi32>, vector<16xi32>, vector<16xi32>, vector<16xi32>, i32
      }
      "tpu.trace_stop"() : () -> ()
      %xor3A_87 = arith.xori %while3A_86#1, %broadcast_in_dim3A_5 : vector<16xi32>
      %select_n3A_88 = arith.select %broadcast_in_dim3A_36, %while3A_86#1, %xor3A_87 : vector<16xi1>, vector<16xi32>
      %ge3A_89 = arith.cmpi sge, %select_n3A_88, %broadcast_in_dim3A_3 : vector<16xi32>
      %sub3A_90 = arith.subi %broadcast_in_dim3A_5, %select_n3A_88 : vector<16xi32>
      %select_n3A_91 = arith.select %ge3A_89, %select_n3A_88, %sub3A_90 : vector<16xi1>, vector<16xi32>
      %bitcast3A_92 = vector.bitcast %select_n3A_91 : vector<16xi32> to vector<16xf32>
      %broadcast_in_dim3A_93 = arith.constant 0.000000e+00 : f32
      %broadcast_in_dim3A_94 = vector.broadcast %broadcast_in_dim3A_93 : f32 to vector<16xf32>
      %parallel_loop3A_95 = arith.constant 0 : i32
      %parallel_loop3A_96 = arith.constant 2048 : i32
      %parallel_loop3A_97 = arith.constant 1 : i32
      "tpu.trace_start"() <{level = 10 : i32, message = "mask"}> : () -> ()
      scf.for %parallel_loop3A_99 = %parallel_loop3A_95 to %parallel_loop3A_96 step %parallel_loop3A_97  : i32 {
        %parallel_loop3A_100 = arith.constant 16 : i32
        %parallel_loop3A_101 = arith.muli %parallel_loop3A_99, %parallel_loop3A_100 : i32
        %parallel_loop3A_102 = arith.index_cast %parallel_loop3A_101 : i32 to index
        %parallel_loop3A_103 = tpu.vector_load %arg4[%parallel_loop3A_102] {strides = array<i32>} : memref<32768xf32, #tpu.memory_space<vmem>>, vector<16xf32>,
        %parallel_loop3A_104 = arith.cmpf oge, %parallel_loop3A_103, %bitcast3A_92 : vector<16xf32>
        %parallel_loop3A_105 = arith.select %parallel_loop3A_104, %parallel_loop3A_103, %broadcast_in_dim3A_94 : vector<16xi1>, vector<16xf32>
        %parallel_loop3A_106 = arith.constant 16 : i32
        %parallel_loop3A_107 = arith.muli %parallel_loop3A_99, %parallel_loop3A_106 : i32
        %parallel_loop3A_108 = arith.index_cast %parallel_loop3A_107 : i32 to index
        %parallel_loop3A_109 = tpu.vector_load %arg4[%parallel_loop3A_108] {strides = array<i32>} : memref<32768xf32, #tpu.memory_space<vmem>>, vector<16xf32>,
        tpu.vector_store %arg4[%parallel_loop3A_108], %parallel_loop3A_105 {strides = array<i32>} : memref<32768xf32, #tpu.memory_space<vmem>>, vector<16xf32>,
      } {sc.loop_unroll_factor = 8 : i64, sc.parallel_access}
      "tpu.trace_stop"() : () -> ()
      "tpu.trace_start"() <{level = 10 : i32, message = "dma_out"}> : () -> ()
      "tpu.region"() ({
        %run_scoped3A = tpu.sem_alloc : memref<!tpu.dma_semaphore, #tpu.memory_space<semaphore_mem>>
        %dma_start3A = arith.constant 0 : i32
        %dma_start3A_99 = tpu.memref_slice %arg3[%add3A_24, %dma_start3A] : memref<128x32768xf32, #tpu.memory_space<hbm>> -> memref<1x32768xf32, #tpu.memory_space<hbm>>
        %dma_start3A_100 = tpu.memref_squeeze %dma_start3A_99 : memref<1x32768xf32, #tpu.memory_space<hbm>> -> memref<32768xf32, #tpu.memory_space<hbm>>
        %dma_start3A_101 = arith.constant 0 : i32
        %dma_start3A_102 = tpu.memref_slice %arg3[%add3A_24, %dma_start3A_101] : memref<128x32768xf32, #tpu.memory_space<hbm>> -> memref<1x32768xf32, #tpu.memory_space<hbm>>
        %dma_start3A_103 = tpu.memref_squeeze %dma_start3A_102 : memref<1x32768xf32, #tpu.memory_space<hbm>> -> memref<32768xf32, #tpu.memory_space<hbm>>
        tpu.enqueue_dma source(%arg4 : memref<32768xf32, #tpu.memory_space<vmem>>) target(%dma_start3A_103 : memref<32768xf32, #tpu.memory_space<hbm>>) target_semaphore(%run_scoped3A : memref<!tpu.dma_semaphore, #tpu.memory_space<semaphore_mem>>)
        %dma_wait3A = arith.constant 0 : i32
        %dma_wait3A_104 = tpu.memref_slice %arg3[%add3A_24, %dma_wait3A] : memref<128x32768xf32, #tpu.memory_space<hbm>> -> memref<1x32768xf32, #tpu.memory_space<hbm>>
        %dma_wait3A_105 = tpu.memref_squeeze %dma_wait3A_104 : memref<1x32768xf32, #tpu.memory_space<hbm>> -> memref<32768xf32, #tpu.memory_space<hbm>>
        %dma_wait3A_106 = arith.constant 0 : i32
        %dma_wait3A_107 = tpu.memref_slice %arg3[%add3A_24, %dma_wait3A_106] : memref<128x32768xf32, #tpu.memory_space<hbm>> -> memref<1x32768xf32, #tpu.memory_space<hbm>>
        %dma_wait3A_108 = tpu.memref_squeeze %dma_wait3A_107 : memref<1x32768xf32, #tpu.memory_space<hbm>> -> memref<32768xf32, #tpu.memory_space<hbm>>
        tpu.wait_dma2 semaphore(%run_scoped3A : memref<!tpu.dma_semaphore, #tpu.memory_space<semaphore_mem>>) src(%arg4 : memref<32768xf32, #tpu.memory_space<vmem>>) dst(%dma_wait3A_108 : memref<32768xf32, #tpu.memory_space<hbm>>)
        tpu.yield
      }) : () -> ()
      "tpu.trace_stop"() : () -> ()
      %scan3A_98 = arith.constant 0 : i32
      scf.yield %scan3A_98 : i32
    }
    %scan3A_19 = arith.constant 4 : i32
    return
  }
}

</mosaic_0001>

<sc_bundles>
// kernel: kernel.3.cloned.1.call-start
scs
__scs_entry_jumppad:
0x0: {  	(pc) =	sbr.rel $0x88, $3  }
0x1: {  	(tag) =	ssettag $0x0;
	lr =	simm.s32 $0x1  }
0x2: {  	[smem:$0x3FA0] =	sst lr;
	_ =	strace $0xD0000000  }
0x3: {  	_ = 	snop  }
0x4: {  	_ = 	snop  }
0x5: {  	_ = 	snop  }
0x6: {  	_ = 	snop  }
0x7: {  	_ = 	snop  }
__scs_overlays_trampoline_lowered:
0x8: {  	[smem:$0x3FAF] =	sst s0  }
0x9: {  	[smem:$0x3FB0] =	sst s1  }
0xa: {  	[smem:$0x3FB1] =	sst s2  }
0xb: {  	[smem:$0x3FB2] =	sst s3  }
0xc: {  	[smem:$0x3FB3] =	sst s4  }
0xd: {  	[smem:$0x3FB4] =	sst s5  }
0xe: {  	[smem:$0x3FB5] =	sst s6  }
0xf: {  	[smem:$0x3FB6] =	sst s7  }
0x10: {  	[smem:$0x3FB7] =	sst s8  }
0x11: {  	[smem:$0x3FB8] =	sst s9;
	s0 =	simm.s32 @!p0 $0x0  }
0x12: {  	s1 =	sld [smem:$0x3F9E];
	s0 =	simm.s32 @p0 $0x1  }
0x13: {  	[smem:$0x3FB9] =	sst s0;
	s0 =	simm.s32 @!p1 $0x0  }
0x14: {  	s2 =	sld [smem:$0x3F9D];
	s0 =	simm.s32 @p1 $0x1  }
0x15: {  	[smem:$0x3FBA] =	sst s0;
	s0 =	simm.s32 @!p2 $0x0  }
0x16: {  	s3 =	sld [smem:$0x3FDB];
	s0 =	simm.s32 @p2 $0x1  }
0x17: {  	s4 =	simm.s32 $0x1BF5;
	[smem:$0x3FBC] =	sst s0  }
0x18: {  	s0 =	sld [smem:$0x3F9F];
	_ =	swait.ge [sflag:s4], $0x0  }
0x19: {  	s7 =	sld [smem:$0x3FA0]  }
0x1a: {  	s8 =	sadd.s32 $0xFFFFE003, lr  }
0x1b: {  	s9 =	sadd.s32 $0xFFFFFEF7, lr;
	s5 =	simm.s32 $0xFFFFFFFF;
	p2 =	slt.u32 s8, $0xFFFFF086  }
0x1c: {  	p1 =	slt.u32 s9, $0xF7A;
	s5 =	simm.s32 @!p2 $0x0  }
0x1d: {  	s5 =	simm.s32 @p1 $0x1;
	p0 =	seq.s32 s7, s2  }
0x1e: {  	s7 =	smul.u32 @!p0 $0xF7A, s2;
	p2 =	seq.s32 @!p0 s5, $0x0  }
0x1f: {  	s9 =	smul.u32 $0xF7A, s1;
	s8 =	simm.s32 @!p0 $0x1BF5;
	p2 =	por !p2, p0  }
0x20: {  	[sflag:s8] =	ssyncset.s32 @!p0 $0xFFFFF086;
	s6 =	sadd.s32 @!p0 s3, s7;
	s7 =	simm.s32 @!p0 $0x108  }
0x21: {  	s3 =	sadd.s32 s3, s9;
	s6 =	sadd.s32 @!p0 $0x88, s6;
	s7 =	simm.s32 @p2 $0x1082  }
0x22: {  	[simem:s7], [sflag:s8] =	dma.local @!p0 [hbm:s6], $0xF7A  }
0x23: {  	s9 =	sor.u32 $0xD0000000, s2;
	s6 =	simm.s32 $0x108;
	_ =	swait.ge @!p0 [sflag:s8], $0x0  }
0x24: {  	s3 =	sadd.s32 $0x88, s3;
	s6 =	simm.s32 @!p1 $0x1082;
	[sflag:s4] =	ssyncset.s32 $0xFFFFF086  }
0x25: {  	[simem:s6], [sflag:s4] =	dma.local [hbm:s3], $0xF7A  }
0x26: {  	[smem:$0x3FA0] =	sst s1;
	(tag) =	ssettag s2;
	_ =	strace s9  }
0x27: {  	s1 =	sld [smem:$0x3FB0]  }
0x28: {  	s2 =	sld [smem:$0x3FB1]  }
0x29: {  	s4 =	sld [smem:$0x3FB3]  }
0x2a: {  	p0 =	seq.s32 s5, $0x0;
	s5 =	sld [smem:$0x3FB4]  }
0x2b: {  	s6 =	sld [smem:$0x3FB5]  }
0x2c: {  	s7 =	sld [smem:$0x3FB6]  }
0x2d: {  	s3 =	simm.s32 $0x108;
	s8 =	sld [smem:$0x3FB7]  }
0x2e: {  	s3 =	simm.s32 @!p0 $0x1082;
	s9 =	sld [smem:$0x3FB8]  }
0x2f: {  	lr =	sadd.s32 s0, s3;
	s0 =	sld [smem:$0x3FAF]  }
0x30: {  	s3 =	sld [smem:$0x3FB2]  }
0x31: {  	[smem:$0x3FBB] =	sst s10  }
0x32: {  	s10 =	sld [smem:$0x3FB9];
	_ =	sdelay $0x3  }
0x33: {  	p0 =	seq.s32 s10, $0x1;
	s10 =	sld [smem:$0x3FBB];
	_ =	sdelay $0x3  }
0x34: {  	[smem:$0x3FBB] =	sst s10  }
0x35: {  	s10 =	sld [smem:$0x3FBA];
	_ =	sdelay $0x3  }
0x36: {  	p1 =	seq.s32 s10, $0x1;
	s10 =	sld [smem:$0x3FBB];
	_ =	sdelay $0x3  }
0x37: {  	[smem:$0x3FBB] =	sst s10  }
0x38: {  	s10 =	sld [smem:$0x3FBC]  }
0x39: {  	_ = 	snop;
	(pc) =	sbr.ind lr, $3  }
0x3a: {  	_ = 	snop  }
0x3b: {  	_ = 	snop  }
0x3c: {  	p2 =	seq.s32 s10, $0x1;
	s10 =	sld [smem:$0x3FBB]  }
0x3d: {  	_ =	shalt  }
0x3e: {  	_ =	shalt  }
0x3f: {  	_ =	shalt  }
0x40: {  	_ =	shalt  }
0x41: {  	_ =	shalt  }
0x42: {  	_ =	shalt  }
0x43: {  	_ =	shalt  }
0x44: {  	_ =	shalt  }
0x45: {  	_ =	shalt  }
0x46: {  	_ =	shalt  }
0x47: {  	_ =	shalt  }
0x48: {  	_ =	shalt  }
0x49: {  	_ =	shalt  }
0x4a: {  	_ =	shalt  }
0x4b: {  	_ =	shalt  }
0x4c: {  	_ =	shalt  }
0x4d: {  	_ =	shalt  }
0x4e: {  	_ =	shalt  }
0x4f: {  	_ =	shalt  }
0x50: {  	_ =	shalt  }
0x51: {  	_ =	shalt  }
0x52: {  	_ =	shalt  }
0x53: {  	_ =	shalt  }
0x54: {  	_ =	shalt  }
0x55: {  	_ =	shalt  }
0x56: {  	_ =	shalt  }
0x57: {  	_ =	shalt  }
0x58: {  	_ =	shalt  }
0x59: {  	_ =	shalt  }
0x5a: {  	_ =	shalt  }
0x5b: {  	_ =	shalt  }
0x5c: {  	_ =	shalt  }
0x5d: {  	_ =	shalt  }
0x5e: {  	_ =	shalt  }
0x5f: {  	_ =	shalt  }
0x60: {  	_ =	shalt  }
0x61: {  	_ =	shalt  }
0x62: {  	_ =	shalt  }
0x63: {  	_ =	shalt  }
0x64: {  	_ =	shalt  }
0x65: {  	_ =	shalt  }
0x66: {  	_ =	shalt  }
0x67: {  	_ =	shalt  }
0x68: {  	_ =	shalt  }
0x69: {  	_ =	shalt  }
0x6a: {  	_ =	shalt  }
0x6b: {  	_ =	shalt  }
0x6c: {  	_ =	shalt  }
0x6d: {  	_ =	shalt  }
0x6e: {  	_ =	shalt  }
0x6f: {  	_ =	shalt  }
0x70: {  	_ =	shalt  }
0x71: {  	_ =	shalt  }
0x72: {  	_ =	shalt  }
0x73: {  	_ =	shalt  }
0x74: {  	_ =	shalt  }
0x75: {  	_ =	shalt  }
0x76: {  	_ =	shalt  }
0x77: {  	_ =	shalt  }
0x78: {  	_ =	shalt  }
0x79: {  	_ =	shalt  }
0x7a: {  	_ =	shalt  }
0x7b: {  	_ =	shalt  }
0x7c: {  	_ =	shalt  }
0x7d: {  	_ =	shalt  }
0x7e: {  	_ =	shalt  }
0x7f: {  	_ =	shalt  }
0x80: {  	_ =	shalt  }
0x81: {  	_ =	shalt  }
0x82: {  	_ =	shalt  }
0x83: {  	_ =	shalt  }
0x84: {  	_ =	shalt  }
0x85: {  	_ =	shalt  }
0x86: {  	_ =	shalt  }
0x87: {  	_ =	shalt  }
.Lfunc_end0:
.L_simem_size_0:
called_computation_lowered:
.L_overlay_start_0:
0x88: {  	s2 =	sld [smem:$0x3FD9]  }
0x89: {  	s3 =	sld [smem:$0x3FFE];
	_ =	sdelay $0x1  }
0x8a: {  	s1 =	srdreg.scid  }
0x8b: {  	s0 =	sand.u32 $0x1, s1  }
0x8c: {  	s18 =	sshll.u32 s0, $0xA;
	s2 =	sadd.s32 s3, s2  }
0x8d: {  	s2 =	sadd.s32 s2, s18  }
0x8e: {  	[smem:$0x3FC7] =	sst s2  }
0x8f: {  	_ = 	snop  }
0x90: {  	s2 =	sld [smem:$0x3FC9]  }
0x91: {  	s19 =	sld [smem:$0x3FD0];
	(tm) =	ssettm $0x1  }
0x92: {  	s4 =	sld [smem:$0x3FFB];
	_ =	sdelay $0x3  }
0x93: {  	_ =	strace s4  }
0x94: {  	s4 =	sld [smem:$0x3FFC];
	_ =	sdelay $0x3  }
0x95: {  	_ =	strace s4  }
0x96: {  	s4 =	sld [smem:$0x3FFD];
	_ =	sdelay $0x3  }
0x97: {  	_ =	strace s4  }
0x98: {  	_ =	strace $0x8FFFFFFF  }
0x99: {  	s20 =	sld [smem:$0x3FDB];
	_ =	sdelay $0x1  }
0x9a: {  	s5 =	simm.s32 $_scs_section_size  }
0x9b: {  	s6 =	simm.s32 $_size__tile_overlayer_lowered;
	s7 =	simm.s32 $_tile_overlayer_lowered  }
0x9c: {  	s23 =	simm.s32 $0x1BFF;
	s22 =	sshll.u32 s7, $0x1;
	s4 =	sadd.s32 s5, s20  }
0x9d: {  	s8 =	simm.s32 $0x0;
	s21 =	sshll.u32 s6, $0x1;
	s6 =	sadd.s32 s22, s4  }
0x9e: {  	[timem:s8], [sflag:s23] =	dma.local [hbm:s6], s21  }
0x9f: {  	_ =	swait.ge [sflag:s23], s21  }
0xa0: {  	s5 =	ssub.s32 $0x0, s21;
	[sflag:s23] =	ssyncset.done $0x0  }
0xa1: {  	[sflag:s23] =	ssyncadd.s32 s5;
	_ =	sdelay $0x1  }
0xa2: {  	s24 =	simm.s32 $0x1B8B  }
0xa3: {  	_ =	swait.ge [sflag:s24], $0x1  }
0xa4: {  	[sflag:s24] =	ssyncset.done $0x0  }
0xa5: {  	s25 =	simm.s32 $0x1B8E;
	[sflag:s24] =	ssyncadd.s32 $0xFFFFFFFF  }
0xa6: {  	s26 =	simm.s32 $execute0_lowered;
	[smem:$0x3FD2] =	sst s25  }
0xa7: {  	s5 =	sshll.u32 s26, $0x1;
	_ =	strace $0x80000046;
	[dreg:$0x1] =	wrdreg $0xFFFFFFFF  }
0xa8: {  	s28 =	simm.s32 $_size_execute0_lowered;
	s4 =	sadd.s32 s4, s5;
	[dreg:$0x0] =	wrdreg $0x0  }
0xa9: {  	s5 =	sshll.u32 s28, $0x1;
	[dreg:$0x2] =	wrdreg s4  }
0xaa: {  	[dreg:$0x3] =	wrdreg s5  }
0xab: {  	[dreg:$0x4] =	wrdreg $0xC0  }
0xac: {  	_ =	task [dreg:s8], $0x5FFFF  }
0xad: {  	[dreg:$0x1] =	wrdreg $0xFFFFFFFF  }
0xae: {  	[dreg:$0x0] =	wrdreg $0x60  }
0xaf: {  	[dreg:$0x2] =	wrdreg s2  }
0xb0: {  	[dreg:$0x3] =	wrdreg s19  }
0xb1: {  	[dreg:$0x4] =	wrdreg $0x9  }
0xb2: {  	_ =	task.clear_ibuf [dreg:s8], $0x5FFFF;
	_ =	strace $0x90000046  }
0xb3: {  	s29 =	simm.s32 $0x9;
	_ =	strace $0x8000004D  }
0xb4: {  	_ =	swait.ge [sflag:s29], $0x1  }
0xb5: {  	[sflag:s29] =	ssyncadd.s32 $0xFFFFFFFF  }
0xb6: {  	_ =	strace $0x9000004D  }
0xb7: {  	_ =	sfence  }
0xb8: {  	s30 =	sld [smem:$0x0];
	_ =	sdelay $0x2  }
0xb9: {  	s31 =	sshll.u32 s1, $0xD;
	s1 =	sshrl.u32 s1, $0x2  }
0xba: {  	s3 =	sand.u32 $0x4000, s31;
	s1 =	sadd.s32 s1, s30  }
0xbb: {  	s0 =	sor.u32 s3, s0;
	s1 =	sshll.u32 s1, $0x11  }
0xbc: {  	s0 =	sor.u32 s1, s0  }
0xbd: {  	s0 =	sadd.s32 $0x8F2B, s0  }
0xbe: {  	[sflag:s0] =	ssyncadd.remote.s32 $0x1  }
0xbf: {  	_ =	sfence.sel $0xFFFF  }
0xc0: {  	[dreg:$0x0] =	wrdreg $0xFFFFFFFF;
	(pc) =	sbr.abs _section_cstart, $3  }
0xc1: {  	[dreg:$0x1] =	wrdreg $0xFFFFFFFF  }
0xc2: {  	_ =	task.clear_ibuf [dreg:s8], $0x2FFFF;
	_ =	strace $0x9FFFFFFF  }
0xc3: {  	(tm) =	ssettm $0x7FFFFFFF  }
tec
execute0_lowered:
.L_overlay_start_1:
0x0: {  	(tag) =	ssettag $0x1  }
0x1: {  	v0 =	vimm.s32 $0xFEDCBA98;
	v1 =	vimm.s32 $0x76543210  }
0x2: {  	v2 =	vimm.s32 $0xBA98FEDC;
	v3 =	vimm.s32 $0x32107654;
	v4 =	vimm.s32 $0xDCFE98BA  }
0x3: {  	v5 =	vimm.s32 $0x54761032;
	v6 =	vimm.s32 $0xEFCDAB89;
	v7 =	vimm.s32 $0x67452301  }
0x4: {  	v0 =	vunpack.c.l.s4.s8 v0;
	v1 =	vunpack.c.l.s4.s8 v1;
	v2 =	vunpack.c.l.s4.s8 v2  }
0x5: {  	s0 =	rddreg [dreg:$0x0];
	v3 =	vunpack.c.l.s4.s8 v3;
	v4 =	vunpack.c.l.s4.s8 v4;
	v5 =	vunpack.c.l.s4.s8 v5  }
0x6: {  	s2 =	rddreg [dreg:$0x1];
	s4 =	srdreg.scid;
	v6 =	vunpack.c.l.s4.s8 v6;
	v7 =	vunpack.c.l.s4.s8 v7;
	v0 =	vunpack.c.0.s8.s32 v0  }
0x7: {  	s1 =	rddreg [dreg:$0x2];
	s3 =	simm.s32 $0x0;
	s9 =	simm.s32 $0x1;
	v2 =	vunpack.c.0.s8.s32 v2;
	v3 =	vunpack.c.0.s8.s32 v3;
	v4 =	vunpack.c.0.s8.s32 v4  }
0x8: {  	s10 =	simm.s32 $0x8000;
	s11 =	simm.s32 $0x0;
	s5 =	sand.u32 $0x1, s4;
	v5 =	vunpack.c.0.s8.s32 v5;
	v6 =	vunpack.c.0.s8.s32 v6;
	v7 =	vunpack.c.0.s8.s32 v7  }
0x9: {  	v9 =	vimm.s32 $0xF;
	[smem:$0x7FF] =	sst s3;
	s4 =	stileid.u32;
	s6 =	ssub.s32 $0x2, s5;
	v1 =	vunpack.c.0.s8.s32 v1;
	v2 =	vcombine.low v3, v2  }
0xa: {  	s8 =	sshll.u32 s4, $0xF;
	s5 =	sshll.u32 s5, $0x6;
	s7 =	sshrl.u32 s6, $0x1;
	v0 =	vand.u32 $0xF, v0;
	v3 =	vcombine.low v5, v4;
	v4 =	vcombine.low v7, v6  }
0xb: {  	_ =	strace $0x80000047;
	s5 =	sor.u32 s8, s5;
	s6 =	ssub.s32 s6, s7;
	v5 =	vimm.s32 $0xFFFFFFFE;
	v6 =	vlaneseq.u32;
	v7 =	vimm.s32 $0x1  }
0xc: {  	s8 =	simm.s32 $0x400;
	s7 =	simm.s32 $0x80;
	s6 =	smax.u32 s6, $0x1;
	v0 =	vcombine.low v0, v1;
	v1 =	vimm.s32 $0x0;
	v8 =	vor.u32 $0x7FF0, v6  }
.LBB2_1:
0xd: {  	s12 =	simm.s32 $0x0  }
.LBB2_2:
0xe: {  	s13 =	sshll.u32 s12, $0x4  }
0xf: {  	s13 =	sadd.s32 s5, s13  }
0x10: {  	_ =	strace $0x80000048;
	s14 =	sadd.s32 s0, s13  }
0x11: {  	[tilespmem:s3], [sflag:$0x1] =	stream.strided.gather [hbm4b:s14+s7], $0x8000, s8, s7, $0x200038;
	[tilespmem:$0x18000] =	vst v63  }
0x12: {  	_ =	swait.ge [sflag:s9], $0x8000  }
0x13: {  	[sflag:s9] =	ssyncset.done $0x0  }
0x14: {  	[sflag:s9] =	ssyncadd.s32 $0xFFFF8000  }
0x15: {  	_ =	strace $0x90000048  }
0x16: {  	s31 =	simm.s32 $0x40;
	_ =	strace $0x80000049  }
0x17: {  	v13 =	vld [tilespmem:s31+$0x20]  }
0x18: {  	v19 =	vld [tilespmem:s31+$0xFFFFFFC0]  }
0x19: {  	v14 =	vld [tilespmem:s31+$0x10]  }
0x1a: {  	v15 =	vld [tilespmem:s31+$0xFFFFFFD0]  }
0x1b: {  	v17 =	vld [tilespmem:s31+$0xFFFFFFE0]  }
0x1c: {  	v10 =	vimm.s32 $0x80000000;
	v16 =	vld [tilespmem:s31+$0xFFFFFFF0]  }
0x1d: {  	vm0 =	vgt.s32 v10, v19  }
0x1e: {  	v10 =	vsel vm0, v10, v19  }
0x1f: {  	v12 =	vld [tilespmem:s31+$0x30];
	vm0 =	vgt.s32 v10, v15  }
0x20: {  	v21 =	vlaneseq.u32;
	v18 =	vld [tilespmem:s31+$0x0];
	vm2 =	vge.f32 v14, $2.250000000e+00;
	v10 =	vsel vm0, v10, v15  }
0x21: {  	vm1 =	vge.f32 v13, $2.250000000e+00;
	vm4 =	vge.f32 v16, $2.250000000e+00;
	vm3 =	vgt.s32 v10, v17  }
0x22: {  	vm6 =	vge.f32 v19, $2.250000000e+00;
	vm5 =	vge.f32 v17, $2.250000000e+00;
	v10 =	vsel vm3, v10, v17  }
0x23: {  	vm7 =	vge.f32 v15, $2.250000000e+00;
	v11 =	vsel vm6, $0x10, v1;
	vm8 =	vgt.s32 v10, v16  }
0x24: {  	v22 =	vadd.s32 v21, v11;
	vm0 =	vge.f32 v12, $2.250000000e+00;
	v24 =	vsel vm8, v10, v16  }
0x25: {  	s15 =	simm.s32 $0xC0;
	s14 =	simm.s32 $0x0;
	vm3 =	vge.f32 v18, $2.250000000e+00;
	v10 =	vsel vm7, $0x10, v1;
	vm8 =	vgt.s32 v24, v18  }
.LBB2_3:
0x26: {  	v11 =	vld [tilespmem:s15+$0x30];
	v10 =	vadd.s32 v22, v10;
	v20 =	vsel vm5, $0x10, v1;
	v23 =	vsel vm8, v24, v18  }
0x27: {  	v25 =	vsel vm4, $0x10, v1;
	v24 =	vld [tilespmem:s15+$0x20];
	v20 =	vadd.s32 v10, v20;
	vm8 =	vgt.s32 v23, v14  }
0x28: {  	s14 =	sadd.s32 $0x8, s14;
	v27 =	vsel vm3, $0x10, v1;
	v26 =	vld [tilespmem:s15+$0xFFFFFFC0];
	v25 =	vadd.s32 v20, v25;
	v23 =	vsel vm8, v23, v14  }
0x29: {  	p0 =	slt.u32 s14, $0x7F8;
	v28 =	vld [tilespmem:s15+$0x10];
	[tilespmem:v21+s10+$0x0] =	vst.idx.msk vm6, v19;
	v27 =	vadd.s32 v25, v27;
	v19 =	vsel vm2, $0x10, v1;
	vm6 =	vgt.s32 v23, v13  }
0x2a: {  	[tilespmem:v22+s10+$0x0] =	vst.idx.msk vm7, v15;
	v15 =	vld [tilespmem:s15+$0xFFFFFFD0];
	v22 =	vadd.s32 v27, v19;
	v19 =	vsel vm1, $0x10, v1;
	v23 =	vsel vm6, v23, v13  }
0x2b: {  	v30 =	vsel vm0, $0x10, v1;
	v29 =	vld [tilespmem:s15+$0x0];
	[tilespmem:v10+s10+$0x0] =	vst.idx.msk vm5, v17;
	v10 =	vadd.s32 v22, v19;
	vm5 =	vgt.s32 v23, v12  }
0x2c: {  	v17 =	vld [tilespmem:s15+$0xFFFFFFE0];
	[tilespmem:v20+s10+$0x0] =	vst.idx.msk vm4, v16;
	v21 =	vadd.s32 v10, v30;
	v20 =	vsel vm5, v23, v12  }
0x2d: {  	vm4 =	vgt.s32 v20, v26;
	v16 =	vld [tilespmem:s15+$0xFFFFFFF0];
	[tilespmem:v25+s10+$0x0] =	vst.idx.msk vm3, v18;
	v19 =	vmov v26  }
0x2e: {  	v23 =	vsel vm4, v20, v19;
	[tilespmem:v27+s10+$0x0] =	vst.idx.msk vm2, v14;
	v14 =	vmov v28  }
0x2f: {  	vm2 =	vgt.s32 v23, v15;
	[tilespmem:v22+s10+$0x0] =	vst.idx.msk vm1, v13;
	v13 =	vmov v24  }
0x30: {  	v20 =	vsel vm2, v23, v15;
	[tilespmem:v10+s10+$0x0] =	vst.idx.msk vm0, v12;
	vm0 =	vge.f32 v11, $2.250000000e+00;
	v12 =	vmovc v11;
	v18 =	vmov v29  }
.Ltmp0:
0x31: {  	vm2 =	vge.f32 v14, $2.250000000e+00;
	vm1 =	vge.f32 v13, $2.250000000e+00;
	vm3 =	vgt.s32 v20, v17;
	(pc) =	sbr.rel @p0 .LBB2_3-.Ltmp0, $4  }
0x32: {  	v10 =	vsel vm3, v20, v17;
	vm4 =	vge.f32 v16, $2.250000000e+00;
	vm3 =	vge.f32 v18, $2.250000000e+00  }
0x33: {  	vm6 =	vge.f32 v19, $2.250000000e+00;
	vm5 =	vge.f32 v17, $2.250000000e+00;
	vm8 =	vgt.s32 v10, v16  }
0x34: {  	vm7 =	vge.f32 v15, $2.250000000e+00;
	v11 =	vsel vm6, $0x10, v1;
	v24 =	vsel vm8, v10, v16  }
0x35: {  	s15 =	sadd.s32 $0x80, s15;
	v22 =	vadd.s32 v21, v11;
	v10 =	vsel vm7, $0x10, v1;
	vm8 =	vgt.s32 v24, v18  }
0x36: {  	v25 =	vadd.s32 v22, v10;
	v10 =	vsel vm5, $0x10, v1  }
0x37: {  	v26 =	vadd.s32 v25, v10;
	v10 =	vsel vm4, $0x10, v1  }
0x38: {  	v27 =	vadd.s32 v26, v10;
	v10 =	vsel vm3, $0x10, v1  }
0x39: {  	v28 =	vadd.s32 v27, v10;
	v10 =	vsel vm2, $0x10, v1  }
0x3a: {  	v20 =	vlaneseq.u32;
	v29 =	vadd.s32 v28, v10;
	v10 =	vsel vm1, $0x10, v1  }
0x3b: {  	v11 =	vmul.u32 $0xFFFFFFFF, v20;
	v30 =	vadd.s32 v29, v10;
	v10 =	vsel vm0, $0x10, v1  }
0x3c: {  	v10 =	vadd.s32 v30, v10  }
0x3d: {  	v23 =	vadd.s32 v11, v10  }
0x3e: {  	v11 =	vshra.s32 v23, $0x4  }
0x3f: {  	(xrf0) =	vadd.scan.msk.s32 $0xffff, v11;
	_ =	sdelay $0x5  }
0x40: {  	v11, _, _ =	vpop (xrf0)  }
0x41: {  	(v2sf) =	vpush v11, $0xF;
	_ =	sdelay $0xd  }
0x42: {  	[tilespmem:v21+s10+$0x0] =	vst.idx.msk vm6, v19  }
0x43: {  	[tilespmem:v22+s10+$0x0] =	vst.idx.msk vm7, v15;
	v15 =	vsel vm8, v24, v18;
	s14 =	spop (v2sf)  }
0x44: {  	vm13 =	vgt.s32 v15, v14;
	[tilespmem:v25+s10+$0x0] =	vst.idx.msk vm5, v17;
	p0 =	slt.s32 s14, $0x100  }
.Ltmp1:
0x45: {  	v15 =	vsel vm13, v15, v14;
	[tilespmem:v26+s10+$0x0] =	vst.idx.msk vm4, v16;
	(pc) =	sbr.rel @p0 .LBB2_5-.Ltmp1, $4  }
0x46: {  	vm14 =	vgt.s32 v15, v13;
	[tilespmem:v27+s10+$0x0] =	vst.idx.msk vm3, v18  }
0x47: {  	v15 =	vsel vm14, v15, v13;
	[tilespmem:v28+s10+$0x0] =	vst.idx.msk vm2, v14  }
0x48: {  	vm15 =	vgt.s32 v15, v12;
	[tilespmem:v29+s10+$0x0] =	vst.idx.msk vm1, v13  }
0x49: {  	v13 =	vsel vm15, v15, v12;
	[tilespmem:v30+s10+$0x0] =	vst.idx.msk vm0, v12  }
0x4a: {  	v12 =	vperm.xlane v13, v0;
	_ =	sdelay $0x1  }
0x4b: {  	vm0 =	vgt.s32 v13, v12  }
0x4c: {  	v12 =	vsel vm0, v13, v12  }
0x4d: {  	v13 =	vperm.xlane v12, v2;
	_ =	sdelay $0x1  }
0x4e: {  	vm0 =	vgt.s32 v12, v13  }
0x4f: {  	v12 =	vsel vm0, v12, v13  }
0x50: {  	v13 =	vperm.xlane v12, v3;
	_ =	sdelay $0x1  }
0x51: {  	vm0 =	vgt.s32 v12, v13  }
.Ltmp2:
0x52: {  	v12 =	vsel vm0, v12, v13;
	(pc) =	sbr.rel .LBB2_8-.Ltmp2, $3  }
0x53: {  	v13 =	vperm.xlane v12, v4;
	_ =	sdelay $0x1  }
0x54: {  	vm0 =	vgt.s32 v12, v13  }
0x55: {  	v13 =	vsel vm0, v12, v13;
	v12 =	vimm.s32 $0x40100000  }
.LBB2_5:
0x56: {  	s15 =	simm.s32 $0x40  }
0x57: {  	v12 =	vld [tilespmem:s15+$0x30]  }
0x58: {  	v13 =	vld [tilespmem:s15+$0x20]  }
0x59: {  	v14 =	vld [tilespmem:s15+$0x10]  }
0x5a: {  	v15 =	vld [tilespmem:s15+$0x0]  }
0x5b: {  	v16 =	vld [tilespmem:s15+$0xFFFFFFF0]  }
0x5c: {  	v26 =	vimm.s32 $0xFFFFFFFF;
	v23 =	vimm.s32 $0x0;
	v18 =	vld [tilespmem:s15+$0xFFFFFFE0];
	v17 =	vsub.s32 $0x80000000, v12  }
0x5d: {  	v21 =	vld [tilespmem:s15+$0xFFFFFFD0];
	v19 =	vsub.s32 $0x80000000, v13;
	vm8 =	vlt.s32 v13, $0x0;
	vm9 =	vlt.s32 v12, $0x0  }
0x5e: {  	v24 =	vld [tilespmem:s15+$0xFFFFFFC0];
	v22 =	vsub.s32 $0x80000000, v14;
	vm10 =	vlt.s32 v14, $0x0;
	vm6 =	vlt.f32 v12, $2.250000000e+00  }
0x5f: {  	v25 =	vsub.s32 $0x80000000, v15;
	vm11 =	vlt.s32 v15, $0x0;
	vm0 =	vlt.f32 v13, $2.250000000e+00  }
0x60: {  	v27 =	vsub.s32 $0x80000000, v16;
	vm12 =	vlt.s32 v16, $0x0;
	vm4 =	vlt.f32 v14, $2.250000000e+00  }
0x61: {  	v28 =	vsub.s32 $0x80000000, v18;
	vm13 =	vlt.s32 v18, $0x0;
	vm5 =	vlt.f32 v15, $2.250000000e+00  }
0x62: {  	v29 =	vsub.s32 $0x80000000, v21;
	vm14 =	vlt.s32 v21, $0x0;
	vm3 =	vlt.f32 v16, $2.250000000e+00  }
0x63: {  	v30 =	vsub.s32 $0x80000000, v24;
	vm15 =	vlt.s32 v24, $0x0;
	vm2 =	vlt.f32 v18, $2.250000000e+00  }
0x64: {  	vm7 =	vlt.f32 v24, $2.250000000e+00;
	vm1 =	vlt.f32 v21, $2.250000000e+00;
	v10 =	vsel vm6, $0x10, v1  }
0x65: {  	v14 =	vsel vm10, v22, v14;
	v13 =	vsel vm8, v19, v13;
	v12 =	vsel vm9, v17, v12  }
0x66: {  	v27 =	vsel vm12, v27, v16;
	v25 =	vsel vm11, v25, v15;
	v17 =	vsel vm0, $0x10, v1  }
0x67: {  	v28 =	vsel vm13, v28, v18;
	v22 =	vsel vm5, $0x10, v1;
	v19 =	vsel vm4, $0x10, v1  }
0x68: {  	v30 =	vsel vm15, v30, v24;
	v29 =	vsel vm14, v29, v21;
	v24 =	vsel vm3, $0x10, v1  }
0x69: {  	v36 =	vsel vm7, $0x10, v1;
	v37 =	vsel vm1, $0x10, v1;
	v38 =	vsel vm2, $0x10, v1  }
0x6a: {  	v18 =	vxor.u32 $0x80000000, v14;
	v16 =	vxor.u32 $0x80000000, v13;
	v15 =	vxor.u32 $0x80000000, v12  }
0x6b: {  	v13 =	vxor.u32 $0x80000000, v28;
	v14 =	vxor.u32 $0x80000000, v27;
	v21 =	vxor.u32 $0x80000000, v25  }
0x6c: {  	v39 =	vxor.u32 $0x80000000, v30;
	v12 =	vxor.u32 $0x80000000, v29;
	v25 =	vnsel vm6, $0xFFFFFFFF, v15  }
0x6d: {  	v28 =	vnsel vm0, $0xFFFFFFFF, v16;
	v29 =	vnsel vm0, $0x0, v16;
	v27 =	vnsel vm6, $0x0, v15  }
0x6e: {  	v32 =	vnsel vm5, $0xFFFFFFFF, v21;
	v30 =	vnsel vm4, $0xFFFFFFFF, v18;
	v31 =	vnsel vm4, $0x0, v18  }
0x6f: {  	v34 =	vnsel vm3, $0xFFFFFFFF, v14;
	v35 =	vnsel vm3, $0x0, v14;
	v33 =	vnsel vm5, $0x0, v21  }
0x70: {  	v40 =	vnsel vm1, $0xFFFFFFFF, v12;
	v41 =	vnsel vm2, $0xFFFFFFFF, v13;
	v42 =	vnsel vm2, $0x0, v13  }
0x71: {  	v43 =	vnsel vm7, $0xFFFFFFFF, v39;
	v44 =	vnsel vm1, $0x0, v12;
	[tilespmem:v20+s10+$0x0] =	vst.idx.msk vm7, v39;
	v39 =	vnsel vm7, $0x0, v39  }
0x72: {  	v26 =	vand.u32 v26, v43;
	v20 =	vadd.s32 v20, v36;
	v62 =	vor.u32 v23, v39  }
0x73: {  	v63 =	vand.u32 v40, v26;
	v23 =	vadd.s32 v20, v37;
	v39 =	vor.u32 v44, v62  }
0x74: {  	s16 =	simm.s32 $0xC0;
	s15 =	simm.s32 $0x0;
	v36 =	vand.u32 v41, v63;
	v26 =	vadd.s32 v23, v38;
	v37 =	vor.u32 v42, v39  }
.LBB2_6:
0x75: {  	v24 =	vadd.s32 v26, v24  }
0x76: {  	v38 =	vld [tilespmem:s16+$0x30];
	v34 =	vand.u32 v34, v36;
	v35 =	vor.u32 v35, v37;
	vm7 =	vmmov vm6  }
0x77: {  	v36 =	vld [tilespmem:s16+$0x20];
	v22 =	vadd.s32 v24, v22;
	v32 =	vand.u32 v32, v34;
	v33 =	vor.u32 v33, v35  }
0x78: {  	v34 =	vld [tilespmem:s16+$0x10];
	v19 =	vadd.s32 v22, v19;
	v30 =	vand.u32 v30, v32;
	v31 =	vor.u32 v31, v33  }
0x79: {  	v32 =	vld [tilespmem:s16+$0x0];
	v17 =	vadd.s32 v19, v17;
	v28 =	vand.u32 v28, v30;
	v29 =	vor.u32 v29, v31  }
0x7a: {  	v30 =	vld [tilespmem:s16+$0xFFFFFFF0];
	v37 =	vand.u32 v25, v28;
	v39 =	vor.u32 v27, v29;
	v40 =	vadd.s32 v17, v10  }
0x7b: {  	v25 =	vld [tilespmem:s16+$0xFFFFFFE0];
	v27 =	vsub.s32 $0x80000000, v38;
	[tilespmem:v24+s10+$0x0] =	vst.idx.msk vm5, v21  }
0x7c: {  	vm9 =	vlt.s32 v38, $0x0;
	v21 =	vld [tilespmem:s16+$0xFFFFFFD0];
	v24 =	vsub.s32 $0x80000000, v36;
	vm8 =	vlt.s32 v36, $0x0;
	[tilespmem:v22+s10+$0x0] =	vst.idx.msk vm4, v18  }
0x7d: {  	vm6 =	vlt.f32 v38, $2.250000000e+00;
	v18 =	vld [tilespmem:s16+$0xFFFFFFC0];
	v22 =	vsub.s32 $0x80000000, v34;
	vm10 =	vlt.s32 v34, $0x0;
	[tilespmem:v19+s10+$0x0] =	vst.idx.msk vm0, v16  }
0x7e: {  	vm0 =	vlt.f32 v36, $2.250000000e+00;
	v16 =	vsub.s32 $0x80000000, v32;
	vm11 =	vlt.s32 v32, $0x0;
	[tilespmem:v17+s10+$0x0] =	vst.idx.msk vm7, v15  }
0x7f: {  	vm4 =	vlt.f32 v34, $2.250000000e+00;
	v15 =	vsub.s32 $0x80000000, v30;
	vm12 =	vlt.s32 v30, $0x0;
	[tilespmem:v26+s10+$0x0] =	vst.idx.msk vm3, v14  }
0x80: {  	vm5 =	vlt.f32 v32, $2.250000000e+00;
	v14 =	vsub.s32 $0x80000000, v25;
	vm13 =	vlt.s32 v25, $0x0;
	[tilespmem:v23+s10+$0x0] =	vst.idx.msk vm2, v13  }
0x81: {  	vm3 =	vlt.f32 v30, $2.250000000e+00;
	v13 =	vsub.s32 $0x80000000, v21;
	vm14 =	vlt.s32 v21, $0x0;
	[tilespmem:v20+s10+$0x0] =	vst.idx.msk vm1, v12  }
0x82: {  	vm2 =	vlt.f32 v25, $2.250000000e+00;
	v12 =	vsub.s32 $0x80000000, v18;
	vm15 =	vlt.s32 v18, $0x0  }
0x83: {  	v10 =	vsel vm6, $0x10, v1;
	vm1 =	vlt.f32 v21, $2.250000000e+00;
	vm7 =	vlt.f32 v18, $2.250000000e+00  }
0x84: {  	v26 =	vsel vm9, v27, v38;
	v23 =	vsel vm8, v24, v36;
	v20 =	vsel vm10, v22, v34  }
0x85: {  	v17 =	vsel vm0, $0x10, v1;
	v28 =	vsel vm11, v16, v32;
	v27 =	vsel vm12, v15, v30  }
0x86: {  	s15 =	sadd.s32 $0x8, s15;
	v19 =	vsel vm4, $0x10, v1;
	v14 =	vsel vm13, v14, v25;
	v22 =	vsel vm5, $0x10, v1  }
0x87: {  	p0 =	slt.u32 s15, $0x7F8;
	v24 =	vsel vm3, $0x10, v1;
	v25 =	vsel vm14, v13, v21;
	v12 =	vsel vm15, v12, v18  }
0x88: {  	v41 =	vsel vm2, $0x10, v1;
	v38 =	vsel vm1, $0x10, v1;
	v36 =	vsel vm7, $0x10, v1  }
0x89: {  	v15 =	vxor.u32 $0x80000000, v26;
	v16 =	vxor.u32 $0x80000000, v23;
	v18 =	vxor.u32 $0x80000000, v20  }
0x8a: {  	v13 =	vxor.u32 $0x80000000, v14;
	v14 =	vxor.u32 $0x80000000, v27;
	v21 =	vxor.u32 $0x80000000, v28  }
0x8b: {  	v20 =	vxor.u32 $0x80000000, v12;
	v12 =	vxor.u32 $0x80000000, v25;
	v25 =	vnsel vm6, $0xFFFFFFFF, v15  }
0x8c: {  	v28 =	vnsel vm0, $0xFFFFFFFF, v16;
	v29 =	vnsel vm0, $0x0, v16;
	v27 =	vnsel vm6, $0x0, v15;
	[tilespmem:v40+s10+$0x0] =	vst.idx.msk vm7, v20  }
0x8d: {  	v32 =	vnsel vm5, $0xFFFFFFFF, v21;
	v30 =	vnsel vm4, $0xFFFFFFFF, v18;
	v31 =	vnsel vm4, $0x0, v18  }
0x8e: {  	v34 =	vnsel vm3, $0xFFFFFFFF, v14;
	v35 =	vnsel vm3, $0x0, v14;
	v33 =	vnsel vm5, $0x0, v21  }
.Ltmp3:
0x8f: {  	v42 =	vnsel vm2, $0xFFFFFFFF, v13;
	v43 =	vnsel vm2, $0x0, v13;
	v26 =	vnsel vm1, $0xFFFFFFFF, v12;
	(pc) =	sbr.rel @p0 .LBB2_6-.Ltmp3, $4  }
0x90: {  	v23 =	vnsel vm7, $0xFFFFFFFF, v20;
	v44 =	vnsel vm7, $0x0, v20;
	v45 =	vnsel vm1, $0x0, v12  }
0x91: {  	v20 =	vadd.s32 v40, v36;
	v36 =	vand.u32 v37, v23;
	v37 =	vor.u32 v39, v44  }
0x92: {  	v23 =	vadd.s32 v20, v38;
	v36 =	vand.u32 v26, v36;
	v37 =	vor.u32 v45, v37  }
0x93: {  	s16 =	sadd.s32 $0x80, s16;
	v26 =	vadd.s32 v23, v41;
	v36 =	vand.u32 v42, v36;
	v37 =	vor.u32 v43, v37  }
0x94: {  	v34 =	vand.u32 v34, v36;
	v35 =	vor.u32 v35, v37  }
0x95: {  	v32 =	vand.u32 v32, v34;
	v33 =	vor.u32 v33, v35  }
0x96: {  	v30 =	vand.u32 v30, v32;
	v31 =	vor.u32 v31, v33  }
0x97: {  	v28 =	vand.u32 v28, v30;
	v29 =	vor.u32 v29, v31  }
0x98: {  	v24 =	vadd.s32 v26, v24;
	v25 =	vand.u32 v25, v28;
	v27 =	vor.u32 v27, v29  }
0x99: {  	v22 =	vadd.s32 v24, v22;
	v28 =	vperm.xlane v25, v0;
	v29 =	vperm.xlane v27, v0  }
0x9a: {  	vm6 =	vmmov vm6;
	v57 =	vand.u32 $0xF, v2  }
0x9b: {  	v19 =	vadd.s32 v22, v19;
	v25 =	vand.u32 v25, v28;
	v27 =	vor.u32 v27, v29  }
0x9c: {  	v17 =	vadd.s32 v19, v17;
	v58 =	vperm.xlane v25, v57;
	v28 =	vperm.xlane v27, v57  }
0x9d: {  	[tilespmem:v24+s10+$0x0] =	vst.idx.msk vm5, v21  }
0x9e: {  	v21 =	vand.u32 $0xF, v3;
	[tilespmem:v22+s10+$0x0] =	vst.idx.msk vm4, v18;
	v59 =	vand.u32 v58, v25;
	v22 =	vor.u32 v28, v27  }
0x9f: {  	[tilespmem:v26+s10+$0x0] =	vst.idx.msk vm3, v14;
	v60 =	vperm.xlane v59, v21;
	v61 =	vperm.xlane v22, v21  }
0xa0: {  	[tilespmem:v23+s10+$0x0] =	vst.idx.msk vm2, v13;
	v63 =	vmul.u32 $0xFFFFFFFF, v6  }
0xa1: {  	[tilespmem:v17+s10+$0x0] =	vst.idx.msk vm6, v15;
	v15 =	vand.u32 $0xF, v4;
	v14 =	vand.u32 v60, v59;
	v62 =	vor.u32 v61, v22  }
0xa2: {  	v10 =	vadd.s32 v17, v10;
	v13 =	vperm.xlane v14, v15;
	v15 =	vperm.xlane v62, v15  }
0xa3: {  	[tilespmem:v20+s10+$0x0] =	vst.idx.msk vm1, v12;
	v23 =	vadd.s32 v63, v10  }
0xa4: {  	[tilespmem:v19+s10+$0x0] =	vst.idx.msk vm0, v16;
	v12 =	vand.u32 v13, v14;
	v13 =	vor.u32 v15, v62  }
.LBB2_8:
0xa5: {  	v13 =	vxor.u32 v12, v13  }
0xa6: {  	v14 =	vcvt.s32.f32 v13;
	_ =	sdelay $0x1  }
0xa7: {  	v14 =	vshra.s32 v14, $0x17  }
0xa8: {  	vm0 =	vgt.s32 v14, $0x7F  }
0xa9: {  	v14 =	vnsel vm0, $0x7F, v14  }
0xaa: {  	vm15 =	vlt.s32 v13, $0x0;
	v13 =	vadd.s32 $0xFFFFFF81, v14  }
0xab: {  	_ =	strace $0x90000049;
	v14 =	vxor.u32 $0x80000000, v23;
	v13 =	vsel vm15, $0x1F, v13  }
0xac: {  	(xrf0) =	vmax.scan.msk.u32 $0xffff, v14;
	v14 =	vxor.u32 $0x80000000, v13  }
0xad: {  	(xrf0) =	vmax.scan.msk.u32 $0xffff, v14;
	_ =	sdelay $0x4  }
0xae: {  	v14, _, _ =	vpop (xrf0)  }
0xaf: {  	(v2sf) =	vpush v14, $0xF;
	v14, _, _ =	vpop (xrf0)  }
0xb0: {  	(v2sf) =	vpush v14, $0xF;
	_ =	sdelay $0xd  }
0xb1: {  	s15 =	spop (v2sf)  }
0xb2: {  	s16 =	spop (v2sf)  }
0xb3: {  	p1 =	sgt.s32 s16, $0xFFFFFFFE  }
.Ltmp4:
0xb4: {  	_ = 	snop;
	(pc) =	sbr.rel @p1 .LBB2_15-.Ltmp4, $3  }
0xb5: {  	_ =	sdelay $0x1  }
0xb6: {  	v14 =	vshll.u32 v5, v13  }
0xb7: {  	p0 =	sgt.s32 s14, $0xFF;
	v12 =	vand.u32 v12, v14;
	_ =	strace $0x8000004A  }
0xb8: {  	s14 =	sshra.s32 s15, $0x4  }
0xb9: {  	s14 =	sxor.u32 $0xF8000000, s14  }
.Ltmp5:
0xba: {  	v27 =	vlaneseq.u32;
	s31 =	sshrl.u32 s14, $0x1E;
	(pc) =	sbr.rel .LBB2_10-.Ltmp5, $4  }
0xbb: {  	v11 =	vsub.s32 $0x100, v11;
	s15 =	sadd.s32 s31, s14  }
0xbc: {  	v11 =	vbroadcast v11, $0xF;
	s15 =	sand.u32 $0xFFFFFFFC, s15  }
0xbd: {  	s16 =	sand.u32 $0x7FFFFFFF, s16;
	s18 =	simm.s32 $0x0;
	s19 =	ssub.s32 s14, s15  }
0xbe: {  	v13 =	vshll.u32 v7, v13;
	s17 =	simm.s32 $0x8000;
	v11 =	vpsel p0, $0x100, v11;
	p1 =	slt.s32 s15, $0x1;
	p2 =	slt.s32 s19, $0x1  }
.LBB2_14:
0xbf: {  	v10 =	vsub.s32 v17, v14  }
0xc0: {  	v10 =	vshra.s32 v10, $0x4  }
0xc1: {  	(xrf0) =	vadd.scan.msk.s32 $0xffff, v10;
	_ =	sdelay $0x5  }
0xc2: {  	v10, _, _ =	vpop (xrf0)  }
0xc3: {  	v16 =	vperm.xlane v10, v9;
	_ =	sdelay $0x1  }
0xc4: {  	v15 =	vadd.s32 $0x10, v15;
	p3 =	sne.s32 s18, s16;
	vm0 =	vlt.s32 v16, v11  }
.Ltmp6:
0xc5: {  	v27 =	vsel vm0, v15, v14;
	(pc) =	sbr.rel @!p3 .LBB2_15-.Ltmp6, $4  }
0xc6: {  	v18 =	vor.u32 $0x8000, v6;
	v10 =	vmov s17  }
0xc7: {  	v10 =	vadd.s32 v18, v10  }
0xc8: {  	s19 =	sadd.s32 $0x1, s18;
	v10 =	vsel vm0, v10, v17;
	v14 =	vnsel vm0, $0x0, v16;
	v15 =	vsel vm0, $0x0, v13  }
0xc9: {  	s18 =	smov.u32 s19;
	s17 =	ssub.s32 $0x8000, s17;
	v13 =	vshrl.u32 v13, $0x1;
	v11 =	vsub.s32 v11, v14;
	v12 =	vor.u32 v12, v15  }
.LBB2_10:
.Ltmp7:
0xca: {  	(pc) =	sbr.rel @p1 .LBB2_11-.Ltmp7, $2  }
0xcb: {  	_ =	sdelay $0x2  }
0xcc: {  	v14 =	vor.u32 s17, v6;
	v15 =	vor.u32 s17, v8  }
0xcd: {  	_ =	sdelay $0x3  }
0xce: {  	v22 =	vld.idx.msk [tilespmem:v27+s10+$0x0], $0xffff  }
0xcf: {  	p4 =	sgt.s32 s15, $0x4  }
.Ltmp8:
0xd0: {  	_ = 	snop;
	(pc) =	sbr.rel @!p4 .LBB2_21-.Ltmp8, $3  }
0xd1: {  	_ =	sdelay $0x1  }
0xd2: {  	v16 =	vadd.s32 $0x40, v27;
	v19 =	vadd.s32 $0x10, v27;
	v29 =	vand.u32 v13, v22  }
0xd3: {  	v25 =	vadd.s32 $0x20, v27;
	v21 =	vadd.s32 $0x30, v27;
	p3 =	por $0x0, $0x0;
	vm2 =	veq.s32 v29, $0x0  }
0xd4: {  	_ =	sdelay $0x3  }
0xd5: {  	v31 =	vld.idx.msk [tilespmem:v19+s10+$0x0], $0xffff  }
0xd6: {  	v17 =	vld.idx.msk [tilespmem:v25+s10+$0x0], $0xffff;
	vm3 =	vlt.s32 v27, v10  }
0xd7: {  	vm4 =	vne.s32 v29, $0x0;
	vm1 =	vlt.s32 v25, v10;
	vm0 =	vlt.s32 v21, v10  }
0xd8: {  	vm5 =	vmand vm3, vm4;
	vm2 =	vmand vm3, vm2;
	v26 =	vsel vm4, v14, v15  }
0xd9: {  	v18 =	vsel vm5, $0x10, v1;
	v23 =	vsel vm2, $0xFFFFFFF0, v1;
	vm2 =	vlt.s32 v19, v10  }
0xda: {  	v19 =	vadd.s32 v14, v18;
	v24 =	vadd.s32 v15, v23;
	v18 =	vand.u32 v13, v31  }
0xdb: {  	v23 =	vand.u32 v13, v17;
	vm4 =	veq.s32 v18, $0x0;
	vm5 =	vne.s32 v18, $0x0  }
0xdc: {  	v18 =	vld.idx.msk [tilespmem:v21+s10+$0x0], $0xffff;
	vm6 =	vmand vm2, vm5;
	vm4 =	vmand vm2, vm4;
	v21 =	vsel vm5, v19, v24  }
0xdd: {  	vm5 =	veq.s32 v23, $0x0;
	v25 =	vsel vm6, $0x10, v1;
	vm6 =	vne.s32 v23, $0x0  }
0xde: {  	v25 =	vadd.s32 v19, v25;
	v19 =	vsel vm4, $0xFFFFFFF0, v1;
	vm4 =	vmand vm1, vm5  }
0xdf: {  	v23 =	vld.idx.msk [tilespmem:v16+s10+$0x0], $0xffff;
	vm5 =	vmand vm1, vm6;
	v24 =	vadd.s32 v24, v19;
	v27 =	vsel vm4, $0xFFFFFFF0, v1  }
0xe0: {  	p4 =	sgt.s32 s15, $0x8;
	v29 =	vsel vm5, $0x10, v1;
	v19 =	vadd.s32 $0x10, v16;
	v28 =	vadd.s32 v24, v27  }
.Ltmp9:
0xe1: {  	v24 =	vsel vm6, v25, v24;
	v30 =	vadd.s32 v25, v29;
	v25 =	vand.u32 v13, v18;
	(pc) =	sbr.rel @!p4 .LBB2_23-.Ltmp9, $4  }
0xe2: {  	vm4 =	veq.s32 v25, $0x0;
	vm5 =	vne.s32 v25, $0x0;
	v25 =	vadd.s32 $0x20, v16  }
0xe3: {  	v20 =	vadd.s32 $0x40, v16;
	[tilespmem:v26+s10+$0x0] =	vst.idx.msk vm3, v22  }
0xe4: {  	[tilespmem:v21+s10+$0x0] =	vst.idx.msk vm2, v31;
	v21 =	vadd.s32 $0x30, v16;
	v29 =	vand.u32 v13, v23;
	v26 =	vsel vm5, v30, v28  }
0xe5: {  	s19 =	simm.s32 $0x8;
	p3 =	por $0x1, $0x1;
	vm3 =	vmand vm0, vm5;
	vm4 =	vmand vm0, vm4;
	vm2 =	veq.s32 v29, $0x0  }
.LBB2_24:
0xe6: {  	s19 =	sadd.s32 $0x4, s19;
	v22 =	vld.idx.msk [tilespmem:v19+s10+$0x0], $0xffff;
	v27 =	vsel vm3, $0x10, v1  }
0xe7: {  	p4 =	slt.s32 s19, s15;
	[tilespmem:v24+s10+$0x0] =	vst.idx.msk vm1, v17;
	v17 =	vld.idx.msk [tilespmem:v25+s10+$0x0], $0xffff;
	v24 =	vadd.s32 v30, v27;
	v27 =	vsel vm4, $0xFFFFFFF0, v1  }
0xe8: {  	vm3 =	vlt.s32 v16, v10;
	v16 =	vmovc v20;
	vm4 =	vne.s32 v29, $0x0;
	v27 =	vadd.s32 v28, v27  }
0xe9: {  	vm1 =	vlt.s32 v25, v10;
	vm5 =	vmand vm3, vm4;
	[tilespmem:v26+s10+$0x0] =	vst.idx.msk vm0, v18;
	vm0 =	vlt.s32 v21, v10  }
0xea: {  	vm2 =	vmand vm3, vm2;
	v25 =	vsel vm4, v24, v27;
	v26 =	vsel vm5, $0x10, v1;
	v18 =	vld.idx.msk [tilespmem:v21+s10+$0x0], $0xffff  }
0xeb: {  	v20 =	vadd.s32 $0x40, v20;
	v21 =	vsel vm2, $0xFFFFFFF0, v1;
	vm2 =	vlt.s32 v19, v10  }
0xec: {  	v19 =	vadd.s32 v24, v26;
	v21 =	vadd.s32 v27, v21;
	v24 =	vand.u32 v13, v22  }
0xed: {  	vm4 =	veq.s32 v24, $0x0;
	vm5 =	vne.s32 v24, $0x0;
	v24 =	vand.u32 v13, v17  }
0xee: {  	vm6 =	vmand vm2, vm5;
	vm4 =	vmand vm2, vm4;
	v26 =	vsel vm5, v19, v21  }
0xef: {  	vm5 =	vne.s32 v24, $0x0;
	[tilespmem:v25+s10+$0x0] =	vst.idx.msk vm3, v23;
	v23 =	vld.idx.msk [tilespmem:v16+s10+$0x0], $0xffff;
	v25 =	vsel vm6, $0x10, v1;
	vm3 =	veq.s32 v24, $0x0  }
0xf0: {  	v27 =	vadd.s32 v19, v25;
	v19 =	vsel vm4, $0xFFFFFFF0, v1;
	vm4 =	vmand vm1, vm5  }
0xf1: {  	vm3 =	vmand vm1, vm3;
	v21 =	vadd.s32 v21, v19;
	v29 =	vsel vm4, $0x10, v1  }
.Ltmp10:
0xf2: {  	v19 =	vadd.s32 $0x10, v16;
	v28 =	vsel vm3, $0xFFFFFFF0, v1;
	v24 =	vsel vm5, v27, v21;
	(pc) =	sbr.rel @p4 .LBB2_24-.Ltmp10, $4  }
0xf3: {  	v25 =	vadd.s32 $0x20, v16;
	v28 =	vadd.s32 v21, v28;
	v21 =	vand.u32 v13, v18;
	[tilespmem:v26+s10+$0x0] =	vst.idx.msk vm2, v22  }
0xf4: {  	v30 =	vadd.s32 v27, v29;
	vm4 =	veq.s32 v21, $0x0;
	vm2 =	vne.s32 v21, $0x0  }
0xf5: {  	v29 =	vand.u32 v13, v23;
	vm3 =	vmand vm0, vm2;
	v26 =	vsel vm2, v30, v28  }
0xf6: {  	v21 =	vadd.s32 $0x30, v16;
	vm4 =	vmand vm0, vm4;
	vm2 =	veq.s32 v29, $0x0  }
0xf7: {  	v27 =	vmov v16;
	v16 =	vmov v20;
	v22 =	vmov v23  }
.LBB2_26:
0xf8: {  	_ =	sdelay $0x3  }
0xf9: {  	v20 =	vld.idx.msk [tilespmem:v19+s10+$0x0], $0xffff;
	v23 =	vsel @p3 vm3, $0x10, v1;
	v31 =	vsel @p3 vm4, $0xFFFFFFF0, v1;
	vm3 =	vlt.s32 v27, v10  }
0xfa: {  	vm5 =	vne.s32 v29, $0x0;
	v27 =	vld.idx.msk [tilespmem:v25+s10+$0x0], $0xffff;
	vm4 =	vlt.s32 v25, v10;
	v23 =	vadd.s32 @p3 v30, v23  }
0xfb: {  	v28 =	vadd.s32 @p3 v28, v31;
	vm6 =	vmand vm3, vm5;
	vm2 =	vmand vm3, vm2  }
0xfc: {  	v23 =	vpsel p3, v23, v14;
	v15 =	vpsel p3, v28, v15;
	v28 =	vsel vm6, $0x10, v1  }
0xfd: {  	v29 =	vsel vm2, $0xFFFFFFF0, v1;
	vm2 =	vlt.s32 v19, v10;
	v25 =	vsel vm5, v23, v15  }
0xfe: {  	v23 =	vadd.s32 v23, v28;
	v15 =	vadd.s32 v15, v29;
	v19 =	vand.u32 v13, v20  }
0xff: {  	vm12 =	vne.s32 v19, $0x0;
	vm13 =	veq.s32 v19, $0x0;
	v19 =	vand.u32 v13, v27  }
0x100: {  	v28 =	vld.idx.msk [tilespmem:v21+s10+$0x0], $0xffff;
	vm7 =	vmand vm2, vm12;
	vm6 =	vmand vm2, vm13;
	vm14 =	vne.s32 v19, $0x0  }
0x101: {  	vm15 =	veq.s32 v19, $0x0;
	v61 =	vsel vm7, $0x10, v1;
	v19 =	vsel vm6, $0xFFFFFFF0, v1  }
0x102: {  	v29 =	vsel vm12, v23, v15;
	v23 =	vadd.s32 v23, v61;
	v15 =	vadd.s32 v15, v19  }
0x103: {  	vm11 =	vmand vm4, vm15;
	v30 =	vsel vm14, v23, v15  }
0x104: {  	vm8 =	vmand vm4, vm14;
	v19 =	vsel vm11, $0xFFFFFFF0, v1  }
0x105: {  	v62 =	vsel vm8, $0x10, v1;
	v15 =	vadd.s32 v15, v19;
	v19 =	vand.u32 v13, v28  }
0x106: {  	vm12 =	vlt.s32 v21, v10;
	v63 =	vadd.s32 v23, v62;
	vm13 =	vne.s32 v19, $0x0  }
0x107: {  	[tilespmem:v24+s10+$0x0] =	vst.idx.msk @p3 vm1, v17;
	v23 =	vsel vm13, v63, v15  }
.Ltmp11:
0x108: {  	[tilespmem:v30+s10+$0x0] =	vst.idx.msk vm4, v27;
	v27 =	vmov v16;
	(pc) =	sbr.rel .LBB2_12-.Ltmp11, $4  }
0x109: {  	[tilespmem:v26+s10+$0x0] =	vst.idx.msk @p3 vm0, v18;
	vm14 =	veq.s32 v19, $0x0  }
0x10a: {  	[tilespmem:v25+s10+$0x0] =	vst.idx.msk vm3, v22;
	vm15 =	vmand vm12, vm13;
	vm0 =	vmand vm12, vm14  }
0x10b: {  	[tilespmem:v29+s10+$0x0] =	vst.idx.msk vm2, v20;
	v17 =	vsel vm15, $0x10, v1;
	v18 =	vsel vm0, $0xFFFFFFF0, v1  }
0x10c: {  	v17 =	vadd.s32 v63, v17;
	v15 =	vadd.s32 v15, v18;
	[tilespmem:v23+s10+$0x0] =	vst.idx.msk vm12, v28  }
.LBB2_11:
0x10d: {  	v17 =	vmov v14  }
.LBB2_12:
.Ltmp12:
0x10e: {  	(pc) =	sbr.rel @p2 .LBB2_14-.Ltmp12, $2  }
0x10f: {  	_ =	sdelay $0x2  }
0x110: {  	s19 =	smov.u32 s15  }
.LBB2_13:
0x111: {  	v16 =	vld.idx.msk [tilespmem:v27+s10+$0x0], $0xffff;
	_ =	sdelay $0x4  }
0x112: {  	v18 =	vand.u32 v13, v16  }
0x113: {  	vm0 =	vlt.s32 v27, v10;
	s19 =	sadd.s32 $0x1, s19;
	vm1 =	vne.s32 v18, $0x0  }
0x114: {  	p3 =	slt.s32 s19, s14;
	v19 =	vsel vm1, v17, v15  }
.Ltmp13:
0x115: {  	_ = 	snop;
	(pc) =	sbr.rel @p3 .LBB2_13-.Ltmp13, $4  }
0x116: {  	vm2 =	veq.s32 v18, $0x0  }
0x117: {  	vm1 =	vmand vm0, vm1;
	vm2 =	vmand vm0, vm2  }
0x118: {  	v18 =	vsel vm1, $0x10, v1;
	v20 =	vsel vm2, $0xFFFFFFF0, v1  }
0x119: {  	v27 =	vadd.s32 $0x10, v27;
	v17 =	vadd.s32 v17, v18;
	v15 =	vadd.s32 v15, v20;
	[tilespmem:v19+s10+$0x0] =	vst.idx.msk vm0, v16  }
.Ltmp14:
0x11a: {  	_ = 	snop;
	(pc) =	sbr.rel .LBB2_14-.Ltmp14, $1  }
0x11b: {  	_ =	sdelay $0x3  }
.LBB2_21:
.Ltmp15:
0x11c: {  	(pc) =	sbr.rel .LBB2_26-.Ltmp15, $2  }
0x11d: {  	_ =	sdelay $0x2  }
0x11e: {  	_ = 	snop  }
.LBB2_23:
.Ltmp16:
0x11f: {  	(pc) =	sbr.rel .LBB2_26-.Ltmp16, $2  }
0x120: {  	_ =	sdelay $0x2  }
0x121: {  	v27 =	vmov v16;
	v16 =	vmov v20;
	v22 =	vmov v23  }
.LBB2_15:
0x122: {  	_ =	strace $0x9000004A  }
0x123: {  	s14 =	simm.s32 $0x40;
	_ =	strace $0x8000004B  }
0x124: {  	v14 =	vld [tilespmem:s14+$0x30]  }
0x125: {  	v10 =	vxor.u32 $0x80000000, v12;
	v17 =	vld [tilespmem:s14+$0xFFFFFFD0]  }
0x126: {  	v10 =	vpsel p0, v12, v10;
	v16 =	vld [tilespmem:s14+$0xFFFFFFE0]  }
0x127: {  	v11 =	vsub.s32 $0x80000000, v10;
	vm0 =	vlt.s32 v10, $0x0;
	v15 =	vld [tilespmem:s14+$0xFFFFFFF0]  }
0x128: {  	v13 =	vld [tilespmem:s14+$0x0];
	v10 =	vsel vm0, v11, v10  }
0x129: {  	v12 =	vld [tilespmem:s14+$0x10];
	vm0 =	vge.f32 v14, v10  }
0x12a: {  	v11 =	vld [tilespmem:s14+$0x20];
	vm1 =	vge.f32 v17, v10;
	v18 =	vnsel vm0, $0x0, v14  }
0x12b: {  	s15 =	simm.s32 $0x0;
	s16 =	simm.s32 $0xC0;
	v14 =	vld [tilespmem:s14+$0xFFFFFFC0];
	v17 =	vnsel vm1, $0x0, v17;
	vm0 =	vge.f32 v16, v10;
	[tilespmem:s14+$0x30] =	vst v18  }
.LBB2_16:
0x12c: {  	v18 =	vld [tilespmem:s16+$0x30];
	s15 =	sadd.s32 $0x8, s15;
	[tilespmem:s14+$0xFFFFFFD0] =	vst v17;
	v16 =	vnsel vm0, $0x0, v16;
	vm0 =	vge.f32 v15, v10  }
0x12d: {  	v17 =	vld [tilespmem:s16+$0xFFFFFFD0];
	p0 =	slt.u32 s15, $0x7F8;
	[tilespmem:s14+$0xFFFFFFE0] =	vst v16;
	v15 =	vnsel vm0, $0x0, v15;
	vm0 =	vge.f32 v13, v10  }
0x12e: {  	v16 =	vld [tilespmem:s16+$0xFFFFFFE0];
	[tilespmem:s14+$0xFFFFFFF0] =	vst v15;
	v13 =	vnsel vm0, $0x0, v13;
	vm0 =	vge.f32 v12, v10  }
.Ltmp17:
0x12f: {  	v15 =	vld [tilespmem:s16+$0xFFFFFFF0];
	[tilespmem:s14+$0x0] =	vst v13;
	v12 =	vnsel vm0, $0x0, v12;
	vm0 =	vge.f32 v11, v10;
	(pc) =	sbr.rel @p0 .LBB2_16-.Ltmp17, $4  }
0x130: {  	v13 =	vld [tilespmem:s16+$0x0];
	vm1 =	vge.f32 v14, v10;
	[tilespmem:s14+$0x10] =	vst v12;
	v11 =	vnsel vm0, $0x0, v11  }
0x131: {  	v12 =	vld [tilespmem:s16+$0x10];
	vm0 =	vge.f32 v18, v10;
	v14 =	vnsel vm1, $0x0, v14;
	[tilespmem:s14+$0x20] =	vst v11  }
0x132: {  	vm1 =	vge.f32 v17, v10;
	v11 =	vld [tilespmem:s16+$0x20];
	v18 =	vnsel vm0, $0x0, v18;
	[tilespmem:s14+$0xFFFFFFC0] =	vst v14;
	s14 =	smov.u32 s16  }
0x133: {  	s16 =	sadd.s32 $0x80, s16;
	v14 =	vld [tilespmem:s14+$0xFFFFFFC0];
	v17 =	vnsel vm1, $0x0, v17;
	vm0 =	vge.f32 v16, v10;
	[tilespmem:s14+$0x30] =	vst v18  }
0x134: {  	[tilespmem:s14+$0xFFFFFFD0] =	vst v17;
	v16 =	vnsel vm0, $0x0, v16;
	vm12 =	vge.f32 v15, v10  }
0x135: {  	[tilespmem:s14+$0xFFFFFFE0] =	vst v16;
	v15 =	vnsel vm12, $0x0, v15;
	vm13 =	vge.f32 v13, v10  }
0x136: {  	[tilespmem:s14+$0xFFFFFFF0] =	vst v15;
	v13 =	vnsel vm13, $0x0, v13;
	vm14 =	vge.f32 v12, v10  }
0x137: {  	[tilespmem:s14+$0x0] =	vst v13;
	v12 =	vnsel vm14, $0x0, v12;
	vm15 =	vge.f32 v11, v10  }
0x138: {  	vm1 =	vge.f32 v14, v10;
	[tilespmem:s14+$0x10] =	vst v12;
	v10 =	vnsel vm15, $0x0, v11  }
0x139: {  	v11 =	vnsel vm1, $0x0, v14;
	[tilespmem:s14+$0x20] =	vst v10  }
0x13a: {  	[tilespmem:s14+$0xFFFFFFC0] =	vst v11  }
0x13b: {  	s12 =	sadd.s32 $0x1, s12;
	_ =	strace $0x9000004B  }
0x13c: {  	s13 =	sadd.s32 s2, s13;
	p0 =	sne.s32 s12, $0x4;
	_ =	strace $0x8000004C  }
0x13d: {  	[hbm4b:s13+s7] =	stream.strided.scatter [tilespmem:s3], [sflag:$0x1], $0x8000, s8, s7, $0x200038;
	[tilespmem:$0x18000] =	vst v63  }
.Ltmp18:
0x13e: {  	_ = 	snop;
	(pc) =	sbr.rel @p0 .LBB2_2-.Ltmp18, $4  }
0x13f: {  	_ =	swait.ge [sflag:s9], $0x8000  }
0x140: {  	[sflag:s9] =	ssyncset.done $0x0  }
0x141: {  	[sflag:s9] =	ssyncadd.s32 $0xFFFF8000  }
0x142: {  	_ =	strace $0x9000004C  }
0x143: {  	s11 =	sadd.s32 $0x1, s11  }
0x144: {  	p0 =	sne.s32 s11, s6  }
.Ltmp19:
0x145: {  	_ = 	snop;
	(pc) =	sbr.rel @p0 .LBB2_1-.Ltmp19, $1  }
0x146: {  	_ =	sdelay $0x3  }
0x147: {  	_ =	sfence.sel $0x180000  }
0x148: {  	[bflag:$0x0] =	sbarrier.arrive $0xFFFF  }
0x149: {  	p0 =	sne.s32 s4, $0x0;
	_ =	strace $0x90000047  }
0x14a: {  	s0 =	sadd.s32 @!p0 $0x100000, s1;
	[bflag:$0x2] =	sbarrier.arrive $0xFFFF  }
0x14b: {  	[sflag:s0] =	ssyncadd.tile.s32 @!p0 $0x1;
	_ =	shalt  }
.Lfunc_end2:
_tile_overlayer_lowered:
.L_overlay_start_2:
0x14c: {  	(tag) =	ssettag $0x2  }
0x14d: {  	s0 =	rddreg [dreg:$0x0];
	s2 =	stileid.u32  }
0x14e: {  	s1 =	rddreg [dreg:$0x1];
	p0 =	sne.s32 s2, $0x0  }
0x14f: {  	s3 =	rddreg [dreg:$0x2];
	[bflag:$0x3] =	sbarrier.arrive $0xFFFF;
	s2 =	simm.s32 @!p0 $0x1C01  }
0x150: {  	[timem:s3], [sflag:s2] =	dma.local @!p0 [hbm:s0], s1  }
0x151: {  	s0 =	simm.s32 @!p0 $0x1  }
0x152: {  	_ =	swait.ge @!p0 [sflag:s0], s1  }
0x153: {  	s1 =	ssub.s32 @!p0 $0x0, s1;
	[sflag:s0] =	ssyncset.done @!p0 $0x0  }
0x154: {  	[sflag:s0] =	ssyncadd.s32 @!p0 s1  }
0x155: {  	[bflag:$0x3] =	sbarrier.arrive $0xFFFF  }
0x156: {  	_ =	shalt  }

</sc_bundles>
